<compile_context>
chip_gen: v7x
topology: tpu7x:2x2x1
jax: 0.10.2.dev20260603
libtpu: 0.0.44.dev20260713+nightly
codegen_flags: <defaults>
</compile_context>

<pallas_src>
import jax
import jax.numpy as jnp
from jax import lax
from jax.experimental import pallas as pl
from jax.experimental.pallas import tpu as pltpu
from jax.experimental.pallas import tpu_sc as plsc

BATCH = 4096
HIST = 20
VOCAB = 1000
NC = 2
NS = 16
NW = NC * NS
PLANES_PER_WORKER = BATCH // NW
CHUNK_PLANES = 2
NCHUNKS = PLANES_PER_WORKER // CHUNK_PLANES
IDS_PER_CHUNK = CHUNK_PLANES * HIST
IDS_PER_WORKER = PLANES_PER_WORKER * HIST
NGROUPS = (IDS_PER_CHUNK + 15) // 16

def _sc_one_hot(arr_flat, out, ids_v, buf0, buf1, sem0, sem1):
    wid = lax.axis_index("s") * NC + lax.axis_index("c")
    base_plane = wid * PLANES_PER_WORKER
    ones = jnp.full((16,), 1.0, jnp.float32)
    zeros = jnp.zeros((16,), jnp.float32)
    bufs = (buf0, buf1)
    sems = (sem0, sem1)

    lane = lax.broadcasted_iota(jnp.int32, (16,), 0)
    r_pat, t_pat, m_pat = [], [], []
    for j in range(NGROUPS):
        lid = lane + j * 16
        rf = jnp.where(lid >= HIST, 1, 0) + jnp.where(lid >= 2 * HIST, 1, 0)
        r_pat.append(jnp.minimum(rf, CHUNK_PLANES - 1))
        t_pat.append(lid - rf * HIST)
        m_pat.append(lid < IDS_PER_CHUNK)

    pltpu.sync_copy(arr_flat.at[pl.ds(wid * IDS_PER_WORKER, IDS_PER_WORKER)],
                    ids_v.at[pl.ds(0, IDS_PER_WORKER)])
    ids_v[pl.ds(IDS_PER_WORKER, 16)] = jnp.zeros((16,), jnp.int32)

    def _zero_row(t, carry):
        for b in range(CHUNK_PLANES):
            for v0 in range(0, VOCAB - 15, 16):
                buf0[b, t, pl.ds(v0, 16)] = zeros
                buf1[b, t, pl.ds(v0, 16)] = zeros
            buf0[b, t, pl.ds(VOCAB - 16, 16)] = zeros
            buf1[b, t, pl.ds(VOCAB - 16, 16)] = zeros
        return carry

    lax.fori_loop(0, HIST, _zero_row, 0)

    def _scatter_chunk(buf, c, x):
        for j in range(NGROUPS):
            vids = ids_v[pl.ds(c * IDS_PER_CHUNK + j * 16, 16)]
            vids = jnp.minimum(vids, VOCAB - 1)
            plsc.store_scatter(buf, [r_pat[j], t_pat[j], vids], x,
                               mask=m_pat[j])

    def _dma(buf, c, sem):
        return pltpu.make_async_copy(
            buf,
            out.at[pl.ds(base_plane + c * CHUNK_PLANES, CHUNK_PLANES)],
            sem,
        )

    def _step(it, carry):
        for b in range(CHUNK_PLANES):
            c = it * CHUNK_PLANES + b

            @pl.when(c >= CHUNK_PLANES)
            def _reclaim():
                _dma(bufs[b], c - CHUNK_PLANES, sems[b]).wait()
                _scatter_chunk(bufs[b], c - CHUNK_PLANES, zeros)

            _scatter_chunk(bufs[b], c, ones)
            _dma(bufs[b], c, sems[b]).start()
        return carry

    lax.fori_loop(0, NCHUNKS // CHUNK_PLANES, _step, 0)

    for b in range(CHUNK_PLANES):
        _dma(bufs[b], NCHUNKS - CHUNK_PLANES + b, sems[b]).wait()


def kernel(arr, mask):
    del mask
    arr_flat = arr.reshape(-1).astype(jnp.int32)
    mesh = plsc.VectorSubcoreMesh(core_axis_name="c", subcore_axis_name="s",
                                  num_cores=NC, num_subcores=NS)
    f = pl.kernel(
        _sc_one_hot,
        out_type=jax.ShapeDtypeStruct((BATCH, HIST, VOCAB), jnp.float32),
        mesh=mesh,
        scratch_types=[
            pltpu.VMEM((IDS_PER_WORKER + 16,), jnp.int32),
            pltpu.VMEM((CHUNK_PLANES, HIST, VOCAB), jnp.float32),
            pltpu.VMEM((CHUNK_PLANES, HIST, VOCAB), jnp.float32),
            pltpu.SemaphoreType.DMA,
            pltpu.SemaphoreType.DMA,
        ],
        compiler_params=pltpu.CompilerParams(needs_layout_passes=False),
    )
    return f(arr_flat)

# --- scband reference (transcript-rebuilt; emitter-appended) ---
"""Pipeline reference for scband-one-hot-encoder-16569983828505 (READ-ONLY COPY).

The authoritative reference and input builder live on the scoring server;
editing this copy changes nothing except your own understanding.
"""

import jax, jax.numpy as jnp
import numpy as np

VOCAB_SIZE = 1000
BATCH = 4096
HIST = 20

def setup_inputs(seed: int = 0) -> dict:
    key = jax.random.key(seed)
    k1, k2 = jax.random.split(key)
    arr = jax.random.randint(k1, (BATCH, HIST), 0, VOCAB_SIZE, dtype=jnp.int64 if jax.config.jax_enable_x64 else jnp.int32)
    mask = jnp.ones((BATCH, HIST), dtype=jnp.float32)
    return {"arr": arr, "mask": mask}

def reference(arr, mask):
    # shp = arr.size() + (vocab_size,)
    shp = arr.shape + (VOCAB_SIZE,)
    one_hot_arr = jnp.zeros(shp, dtype=jnp.float32)
    # torch scatter_(-1, arr.unsqueeze(-1), 1) -> overwrite 1 at last-dim index arr
    b_idx = jnp.arange(arr.shape[0])[:, None]
    t_idx = jnp.arange(arr.shape[1])[None, :]
    one_hot_arr = one_hot_arr.at[b_idx, t_idx, arr].set(1.0)
    return one_hot_arr

if __name__ == "__main__":
    import jax
    _d = setup_inputs()
    print(jax.jit(kernel)(*tuple(_d.values())))

</pallas_src>

<mosaic_0001>
#map = affine_map<(d0, d1) -> (0)>
#map1 = affine_map<(d0, d1) -> (0, 0, 0)>
module attributes {stable_mosaic.version = 14 : i64} {
  func.func @_sc_one_hot(%arg0: i32, %arg1: i32, %arg2: memref<81920xi32, #tpu.memory_space<hbm>>, %arg3: memref<4096x20x1000xf32, #tpu.memory_space<hbm>>, %arg4: memref<2576xi32, #tpu.memory_space<vmem>>, %arg5: memref<2x20x1000xf32, #tpu.memory_space<vmem>>, %arg6: memref<2x20x1000xf32, #tpu.memory_space<vmem>>, %arg7: memref<!tpu.dma_semaphore, #tpu.memory_space<semaphore_mem>>, %arg8: memref<!tpu.dma_semaphore, #tpu.memory_space<semaphore_mem>>) attributes {dimension_semantics = [#tpu.dimension_semantics<core_parallel>, #tpu.dimension_semantics<subcore_parallel>], iteration_bounds = array<i64: 2, 16>, scalar_prefetch = 0 : i64, scratch_operands = 5 : i64, tpu.core_type = #tpu.core_type<sc_vector_subcore>, window_params = [{transform_indices = #map}, {transform_indices = #map1}]} {
    %mul3A = arith.constant 2 : i32
    %mul3A_0 = arith.muli %arg1, %mul3A : i32
    %add3A = arith.addi %mul3A_0, %arg0 : i32
    %mul3A_1 = arith.constant 128 : i32
    %mul3A_2 = arith.muli %add3A, %mul3A_1 : i32
    %broadcast_in_dim3A = arith.constant 1.000000e+00 : f32
    %broadcast_in_dim3A_3 = vector.broadcast %broadcast_in_dim3A : f32 to vector<16xf32>
    %broadcast_in_dim3A_4 = arith.constant 0.000000e+00 : f32
    %broadcast_in_dim3A_5 = vector.broadcast %broadcast_in_dim3A_4 : f32 to vector<16xf32>
    %iota3A = tpu.iota {dimensions = array<i32: 0>} : vector<16xi32>
    %add3A_6 = arith.constant 0 : i32
    %add3A_7 = vector.broadcast %add3A_6 : i32 to vector<16xi32>
    %add3A_8 = arith.addi %iota3A, %add3A_7 : vector<16xi32>
    %ge3A = arith.constant 20 : i32
    %ge3A_9 = vector.broadcast %ge3A : i32 to vector<16xi32>
    %ge3A_10 = arith.cmpi sge, %add3A_8, %ge3A_9 : vector<16xi32>
    %jit3A = arith.constant 1 : i32
    %jit3A_11 = arith.constant 0 : i32
    %broadcast_in_dim3A_12 = vector.broadcast %jit3A : i32 to vector<16xi32>
    %broadcast_in_dim3A_13 = vector.broadcast %jit3A_11 : i32 to vector<16xi32>
    %select_n3A = arith.select %ge3A_10, %broadcast_in_dim3A_12, %broadcast_in_dim3A_13 : vector<16xi1>, vector<16xi32>
    %ge3A_14 = arith.constant 40 : i32
    %ge3A_15 = vector.broadcast %ge3A_14 : i32 to vector<16xi32>
    %ge3A_16 = arith.cmpi sge, %add3A_8, %ge3A_15 : vector<16xi32>
    %jit3A_17 = arith.constant 1 : i32
    %jit3A_18 = arith.constant 0 : i32
    %broadcast_in_dim3A_19 = vector.broadcast %jit3A_17 : i32 to vector<16xi32>
    %broadcast_in_dim3A_20 = vector.broadcast %jit3A_18 : i32 to vector<16xi32>
    %select_n3A_21 = arith.select %ge3A_16, %broadcast_in_dim3A_19, %broadcast_in_dim3A_20 : vector<16xi1>, vector<16xi32>
    %add3A_22 = arith.addi %select_n3A, %select_n3A_21 : vector<16xi32>
    %min3A = arith.constant 1 : i32
    %min3A_23 = vector.broadcast %min3A : i32 to vector<16xi32>
    %min3A_24 = arith.minsi %add3A_22, %min3A_23 : vector<16xi32>
    %mul3A_25 = arith.constant 20 : i32
    %mul3A_26 = vector.broadcast %mul3A_25 : i32 to vector<16xi32>
    %mul3A_27 = arith.muli %add3A_22, %mul3A_26 : vector<16xi32>
    %sub3A = arith.subi %add3A_8, %mul3A_27 : vector<16xi32>
    %lt3A = arith.constant 40 : i32
    %lt3A_28 = vector.broadcast %lt3A : i32 to vector<16xi32>
    %lt3A_29 = arith.cmpi slt, %add3A_8, %lt3A_28 : vector<16xi32>
    %add3A_30 = arith.constant 16 : i32
    %add3A_31 = vector.broadcast %add3A_30 : i32 to vector<16xi32>
    %add3A_32 = arith.addi %iota3A, %add3A_31 : vector<16xi32>
    %ge3A_33 = arith.constant 20 : i32
    %ge3A_34 = vector.broadcast %ge3A_33 : i32 to vector<16xi32>
    %ge3A_35 = arith.cmpi sge, %add3A_32, %ge3A_34 : vector<16xi32>
    %jit3A_36 = arith.constant 1 : i32
    %jit3A_37 = arith.constant 0 : i32
    %broadcast_in_dim3A_38 = vector.broadcast %jit3A_36 : i32 to vector<16xi32>
    %broadcast_in_dim3A_39 = vector.broadcast %jit3A_37 : i32 to vector<16xi32>
    %select_n3A_40 = arith.select %ge3A_35, %broadcast_in_dim3A_38, %broadcast_in_dim3A_39 : vector<16xi1>, vector<16xi32>
    %ge3A_41 = arith.constant 40 : i32
    %ge3A_42 = vector.broadcast %ge3A_41 : i32 to vector<16xi32>
    %ge3A_43 = arith.cmpi sge, %add3A_32, %ge3A_42 : vector<16xi32>
    %jit3A_44 = arith.constant 1 : i32
    %jit3A_45 = arith.constant 0 : i32
    %broadcast_in_dim3A_46 = vector.broadcast %jit3A_44 : i32 to vector<16xi32>
    %broadcast_in_dim3A_47 = vector.broadcast %jit3A_45 : i32 to vector<16xi32>
    %select_n3A_48 = arith.select %ge3A_43, %broadcast_in_dim3A_46, %broadcast_in_dim3A_47 : vector<16xi1>, vector<16xi32>
    %add3A_49 = arith.addi %select_n3A_40, %select_n3A_48 : vector<16xi32>
    %min3A_50 = arith.constant 1 : i32
    %min3A_51 = vector.broadcast %min3A_50 : i32 to vector<16xi32>
    %min3A_52 = arith.minsi %add3A_49, %min3A_51 : vector<16xi32>
    %mul3A_53 = arith.constant 20 : i32
    %mul3A_54 = vector.broadcast %mul3A_53 : i32 to vector<16xi32>
    %mul3A_55 = arith.muli %add3A_49, %mul3A_54 : vector<16xi32>
    %sub3A_56 = arith.subi %add3A_32, %mul3A_55 : vector<16xi32>
    %lt3A_57 = arith.constant 40 : i32
    %lt3A_58 = vector.broadcast %lt3A_57 : i32 to vector<16xi32>
    %lt3A_59 = arith.cmpi slt, %add3A_32, %lt3A_58 : vector<16xi32>
    %add3A_60 = arith.constant 32 : i32
    %add3A_61 = vector.broadcast %add3A_60 : i32 to vector<16xi32>
    %add3A_62 = arith.addi %iota3A, %add3A_61 : vector<16xi32>
    %ge3A_63 = arith.constant 20 : i32
    %ge3A_64 = vector.broadcast %ge3A_63 : i32 to vector<16xi32>
    %ge3A_65 = arith.cmpi sge, %add3A_62, %ge3A_64 : vector<16xi32>
    %jit3A_66 = arith.constant 1 : i32
    %jit3A_67 = arith.constant 0 : i32
    %broadcast_in_dim3A_68 = vector.broadcast %jit3A_66 : i32 to vector<16xi32>
    %broadcast_in_dim3A_69 = vector.broadcast %jit3A_67 : i32 to vector<16xi32>
    %select_n3A_70 = arith.select %ge3A_65, %broadcast_in_dim3A_68, %broadcast_in_dim3A_69 : vector<16xi1>, vector<16xi32>
    %ge3A_71 = arith.constant 40 : i32
    %ge3A_72 = vector.broadcast %ge3A_71 : i32 to vector<16xi32>
    %ge3A_73 = arith.cmpi sge, %add3A_62, %ge3A_72 : vector<16xi32>
    %jit3A_74 = arith.constant 1 : i32
    %jit3A_75 = arith.constant 0 : i32
    %broadcast_in_dim3A_76 = vector.broadcast %jit3A_74 : i32 to vector<16xi32>
    %broadcast_in_dim3A_77 = vector.broadcast %jit3A_75 : i32 to vector<16xi32>
    %select_n3A_78 = arith.select %ge3A_73, %broadcast_in_dim3A_76, %broadcast_in_dim3A_77 : vector<16xi1>, vector<16xi32>
    %add3A_79 = arith.addi %select_n3A_70, %select_n3A_78 : vector<16xi32>
    %min3A_80 = arith.constant 1 : i32
    %min3A_81 = vector.broadcast %min3A_80 : i32 to vector<16xi32>
    %min3A_82 = arith.minsi %add3A_79, %min3A_81 : vector<16xi32>
    %mul3A_83 = arith.constant 20 : i32
    %mul3A_84 = vector.broadcast %mul3A_83 : i32 to vector<16xi32>
    %mul3A_85 = arith.muli %add3A_79, %mul3A_84 : vector<16xi32>
    %sub3A_86 = arith.subi %add3A_62, %mul3A_85 : vector<16xi32>
    %lt3A_87 = arith.constant 40 : i32
    %lt3A_88 = vector.broadcast %lt3A_87 : i32 to vector<16xi32>
    %lt3A_89 = arith.cmpi slt, %add3A_62, %lt3A_88 : vector<16xi32>
    %mul3A_90 = arith.constant 2560 : i32
    %mul3A_91 = arith.muli %add3A, %mul3A_90 : i32
    "tpu.region"() ({
      %run_scoped3A = tpu.sem_alloc : memref<!tpu.dma_semaphore, #tpu.memory_space<semaphore_mem>>
      %dma_start3A = arith.constant 0 : i32
      %dma_start3A_121 = tpu.memref_slice %arg4[%dma_start3A] : memref<2576xi32, #tpu.memory_space<vmem>> -> memref<2560xi32, #tpu.memory_space<vmem>>
      %dma_start3A_122 = tpu.memref_slice %arg2[%mul3A_91] : memref<81920xi32, #tpu.memory_space<hbm>> -> memref<2560xi32, #tpu.memory_space<hbm>>
      %dma_start3A_123 = arith.constant 0 : i32
      %dma_start3A_124 = tpu.memref_slice %arg4[%dma_start3A_123] : memref<2576xi32, #tpu.memory_space<vmem>> -> memref<2560xi32, #tpu.memory_space<vmem>>
      %dma_start3A_125 = tpu.memref_slice %arg2[%mul3A_91] : memref<81920xi32, #tpu.memory_space<hbm>> -> memref<2560xi32, #tpu.memory_space<hbm>>
      tpu.enqueue_dma source(%dma_start3A_125 : memref<2560xi32, #tpu.memory_space<hbm>>) target(%dma_start3A_124 : memref<2560xi32, #tpu.memory_space<vmem>>) target_semaphore(%run_scoped3A : memref<!tpu.dma_semaphore, #tpu.memory_space<semaphore_mem>>)
      %dma_wait3A_126 = arith.constant 0 : i32
      %dma_wait3A_127 = tpu.memref_slice %arg4[%dma_wait3A_126] : memref<2576xi32, #tpu.memory_space<vmem>> -> memref<2560xi32, #tpu.memory_space<vmem>>
      %dma_wait3A_128 = tpu.memref_slice %arg2[%mul3A_91] : memref<81920xi32, #tpu.memory_space<hbm>> -> memref<2560xi32, #tpu.memory_space<hbm>>
      %dma_wait3A_129 = arith.constant 0 : i32
      %dma_wait3A_130 = tpu.memref_slice %arg4[%dma_wait3A_129] : memref<2576xi32, #tpu.memory_space<vmem>> -> memref<2560xi32, #tpu.memory_space<vmem>>
      %dma_wait3A_131 = tpu.memref_slice %arg2[%mul3A_91] : memref<81920xi32, #tpu.memory_space<hbm>> -> memref<2560xi32, #tpu.memory_space<hbm>>
      tpu.wait_dma2 semaphore(%run_scoped3A : memref<!tpu.dma_semaphore, #tpu.memory_space<semaphore_mem>>) src(%dma_wait3A_131 : memref<2560xi32, #tpu.memory_space<hbm>>) dst(%dma_wait3A_130 : memref<2560xi32, #tpu.memory_space<vmem>>)
      tpu.yield
    }) : () -> ()
    %broadcast_in_dim3A_92 = arith.constant 0 : i32
    %broadcast_in_dim3A_93 = vector.broadcast %broadcast_in_dim3A_92 : i32 to vector<16xi32>
    %swap3A = arith.constant 2560 : index
    %swap3A_94 = tpu.vector_load %arg4[%swap3A] {strides = array<i32>} : memref<2576xi32, #tpu.memory_space<vmem>>, vector<16xi32>,
    tpu.vector_store %arg4[%swap3A], %broadcast_in_dim3A_93 {strides = array<i32>} : memref<2576xi32, #tpu.memory_space<vmem>>, vector<16xi32>,
    %scan3A = arith.constant 0 : i32
    %scan3A_95 = arith.constant 0 : i32
    %scan3A_96 = arith.constant 20 : i32
    %scan3A_97 = arith.addi %scan3A_95, %scan3A_96 : i32
    %scan3A_98 = arith.constant 1 : i32
    scf.for %scan3A_121 = %scan3A_95 to %scan3A_97 step %scan3A_98  : i32 {
      %swap3A_122 = arith.constant 0 : i32
      %swap3A_123 = arith.index_cast %swap3A_122 : i32 to index
      %swap3A_124 = arith.index_cast %scan3A_121 : i32 to index
      %swap3A_125 = arith.constant 0 : index
      %swap3A_126 = tpu.vector_load %arg5[%swap3A_123, %swap3A_124, %swap3A_125] {strides = array<i32>} : memref<2x20x1000xf32, #tpu.memory_space<vmem>>, vector<16xf32>,
      tpu.vector_store %arg5[%swap3A_123, %swap3A_124, %swap3A_125], %broadcast_in_dim3A_5 {strides = array<i32>} : memref<2x20x1000xf32, #tpu.memory_space<vmem>>, vector<16xf32>,
      %swap3A_127 = arith.constant 0 : i32
      %swap3A_128 = arith.index_cast %swap3A_127 : i32 to index
      %swap3A_129 = arith.index_cast %scan3A_121 : i32 to index
      %swap3A_130 = arith.constant 0 : index
      %swap3A_131 = tpu.vector_load %arg6[%swap3A_128, %swap3A_129, %swap3A_130] {strides = array<i32>} : memref<2x20x1000xf32, #tpu.memory_space<vmem>>, vector<16xf32>,
      tpu.vector_store %arg6[%swap3A_128, %swap3A_129, %swap3A_130], %broadcast_in_dim3A_5 {strides = array<i32>} : memref<2x20x1000xf32, #tpu.memory_space<vmem>>, vector<16xf32>,
      %swap3A_132 = arith.constant 0 : i32
      %swap3A_133 = arith.index_cast %swap3A_132 : i32 to index
      %swap3A_134 = arith.index_cast %scan3A_121 : i32 to index
      %swap3A_135 = arith.constant 16 : index
      %swap3A_136 = tpu.vector_load %arg5[%swap3A_133, %swap3A_134, %swap3A_135] {strides = array<i32>} : memref<2x20x1000xf32, #tpu.memory_space<vmem>>, vector<16xf32>,
      tpu.vector_store %arg5[%swap3A_133, %swap3A_134, %swap3A_135], %broadcast_in_dim3A_5 {strides = array<i32>} : memref<2x20x1000xf32, #tpu.memory_space<vmem>>, vector<16xf32>,
      %swap3A_137 = arith.constant 0 : i32
      %swap3A_138 = arith.index_cast %swap3A_137 : i32 to index
      %swap3A_139 = arith.index_cast %scan3A_121 : i32 to index
      %swap3A_140 = arith.constant 16 : index
      %swap3A_141 = tpu.vector_load %arg6[%swap3A_138, %swap3A_139, %swap3A_140] {strides = array<i32>} : memref<2x20x1000xf32, #tpu.memory_space<vmem>>, vector<16xf32>,
      tpu.vector_store %arg6[%swap3A_138, %swap3A_139, %swap3A_140], %broadcast_in_dim3A_5 {strides = array<i32>} : memref<2x20x1000xf32, #tpu.memory_space<vmem>>, vector<16xf32>,
      %swap3A_142 = arith.constant 0 : i32
      %swap3A_143 = arith.index_cast %swap3A_142 : i32 to index
      %swap3A_144 = arith.index_cast %scan3A_121 : i32 to index
      %swap3A_145 = arith.constant 32 : index
      %swap3A_146 = tpu.vector_load %arg5[%swap3A_143, %swap3A_144, %swap3A_145] {strides = array<i32>} : memref<2x20x1000xf32, #tpu.memory_space<vmem>>, vector<16xf32>,
      tpu.vector_store %arg5[%swap3A_143, %swap3A_144, %swap3A_145], %broadcast_in_dim3A_5 {strides = array<i32>} : memref<2x20x1000xf32, #tpu.memory_space<vmem>>, vector<16xf32>,
      %swap3A_147 = arith.constant 0 : i32
      %swap3A_148 = arith.index_cast %swap3A_147 : i32 to index
      %swap3A_149 = arith.index_cast %scan3A_121 : i32 to index
      %swap3A_150 = arith.constant 32 : index
      %swap3A_151 = tpu.vector_load %arg6[%swap3A_148, %swap3A_149, %swap3A_150] {strides = array<i32>} : memref<2x20x1000xf32, #tpu.memory_space<vmem>>, vector<16xf32>,
      tpu.vector_store %arg6[%swap3A_148, %swap3A_149, %swap3A_150], %broadcast_in_dim3A_5 {strides = array<i32>} : memref<2x20x1000xf32, #tpu.memory_space<vmem>>, vector<16xf32>,
      %swap3A_152 = arith.constant 0 : i32
      %swap3A_153 = arith.index_cast %swap3A_152 : i32 to index
      %swap3A_154 = arith.index_cast %scan3A_121 : i32 to index
      %swap3A_155 = arith.constant 48 : index
      %swap3A_156 = tpu.vector_load %arg5[%swap3A_153, %swap3A_154, %swap3A_155] {strides = array<i32>} : memref<2x20x1000xf32, #tpu.memory_space<vmem>>, vector<16xf32>,
      tpu.vector_store %arg5[%swap3A_153, %swap3A_154, %swap3A_155], %broadcast_in_dim3A_5 {strides = array<i32>} : memref<2x20x1000xf32, #tpu.memory_space<vmem>>, vector<16xf32>,
      %swap3A_157 = arith.constant 0 : i32
      %swap3A_158 = arith.index_cast %swap3A_157 : i32 to index
      %swap3A_159 = arith.index_cast %scan3A_121 : i32 to index
      %swap3A_160 = arith.constant 48 : index
      %swap3A_161 = tpu.vector_load %arg6[%swap3A_158, %swap3A_159, %swap3A_160] {strides = array<i32>} : memref<2x20x1000xf32, #tpu.memory_space<vmem>>, vector<16xf32>,
      tpu.vector_store %arg6[%swap3A_158, %swap3A_159, %swap3A_160], %broadcast_in_dim3A_5 {strides = array<i32>} : memref<2x20x1000xf32, #tpu.memory_space<vmem>>, vector<16xf32>,
      %swap3A_162 = arith.constant 0 : i32
      %swap3A_163 = arith.index_cast %swap3A_162 : i32 to index
      %swap3A_164 = arith.index_cast %scan3A_121 : i32 to index
      %swap3A_165 = arith.constant 64 : index
      %swap3A_166 = tpu.vector_load %arg5[%swap3A_163, %swap3A_164, %swap3A_165] {strides = array<i32>} : memref<2x20x1000xf32, #tpu.memory_space<vmem>>, vector<16xf32>,
      tpu.vector_store %arg5[%swap3A_163, %swap3A_164, %swap3A_165], %broadcast_in_dim3A_5 {strides = array<i32>} : memref<2x20x1000xf32, #tpu.memory_space<vmem>>, vector<16xf32>,
      %swap3A_167 = arith.constant 0 : i32
      %swap3A_168 = arith.index_cast %swap3A_167 : i32 to index
      %swap3A_169 = arith.index_cast %scan3A_121 : i32 to index
      %swap3A_170 = arith.constant 64 : index
      %swap3A_171 = tpu.vector_load %arg6[%swap3A_168, %swap3A_169, %swap3A_170] {strides = array<i32>} : memref<2x20x1000xf32, #tpu.memory_space<vmem>>, vector<16xf32>,
      tpu.vector_store %arg6[%swap3A_168, %swap3A_169, %swap3A_170], %broadcast_in_dim3A_5 {strides = array<i32>} : memref<2x20x1000xf32, #tpu.memory_space<vmem>>, vector<16xf32>,
      %swap3A_172 = arith.constant 0 : i32
      %swap3A_173 = arith.index_cast %swap3A_172 : i32 to index
      %swap3A_174 = arith.index_cast %scan3A_121 : i32 to index
      %swap3A_175 = arith.constant 80 : index
      %swap3A_176 = tpu.vector_load %arg5[%swap3A_173, %swap3A_174, %swap3A_175] {strides = array<i32>} : memref<2x20x1000xf32, #tpu.memory_space<vmem>>, vector<16xf32>,
      tpu.vector_store %arg5[%swap3A_173, %swap3A_174, %swap3A_175], %broadcast_in_dim3A_5 {strides = array<i32>} : memref<2x20x1000xf32, #tpu.memory_space<vmem>>, vector<16xf32>,
      %swap3A_177 = arith.constant 0 : i32
      %swap3A_178 = arith.index_cast %swap3A_177 : i32 to index
      %swap3A_179 = arith.index_cast %scan3A_121 : i32 to index
      %swap3A_180 = arith.constant 80 : index
      %swap3A_181 = tpu.vector_load %arg6[%swap3A_178, %swap3A_179, %swap3A_180] {strides = array<i32>} : memref<2x20x1000xf32, #tpu.memory_space<vmem>>, vector<16xf32>,
      tpu.vector_store %arg6[%swap3A_178, %swap3A_179, %swap3A_180], %broadcast_in_dim3A_5 {strides = array<i32>} : memref<2x20x1000xf32, #tpu.memory_space<vmem>>, vector<16xf32>,
      %swap3A_182 = arith.constant 0 : i32
      %swap3A_183 = arith.index_cast %swap3A_182 : i32 to index
      %swap3A_184 = arith.index_cast %scan3A_121 : i32 to index
      %swap3A_185 = arith.constant 96 : index
      %swap3A_186 = tpu.vector_load %arg5[%swap3A_183, %swap3A_184, %swap3A_185] {strides = array<i32>} : memref<2x20x1000xf32, #tpu.memory_space<vmem>>, vector<16xf32>,
      tpu.vector_store %arg5[%swap3A_183, %swap3A_184, %swap3A_185], %broadcast_in_dim3A_5 {strides = array<i32>} : memref<2x20x1000xf32, #tpu.memory_space<vmem>>, vector<16xf32>,
      %swap3A_187 = arith.constant 0 : i32
      %swap3A_188 = arith.index_cast %swap3A_187 : i32 to index
      %swap3A_189 = arith.index_cast %scan3A_121 : i32 to index
      %swap3A_190 = arith.constant 96 : index
      %swap3A_191 = tpu.vector_load %arg6[%swap3A_188, %swap3A_189, %swap3A_190] {strides = array<i32>} : memref<2x20x1000xf32, #tpu.memory_space<vmem>>, vector<16xf32>,
      tpu.vector_store %arg6[%swap3A_188, %swap3A_189, %swap3A_190], %broadcast_in_dim3A_5 {strides = array<i32>} : memref<2x20x1000xf32, #tpu.memory_space<vmem>>, vector<16xf32>,
      %swap3A_192 = arith.constant 0 : i32
      %swap3A_193 = arith.index_cast %swap3A_192 : i32 to index
      %swap3A_194 = arith.index_cast %scan3A_121 : i32 to index
      %swap3A_195 = arith.constant 112 : index
      %swap3A_196 = tpu.vector_load %arg5[%swap3A_193, %swap3A_194, %swap3A_195] {strides = array<i32>} : memref<2x20x1000xf32, #tpu.memory_space<vmem>>, vector<16xf32>,
      tpu.vector_store %arg5[%swap3A_193, %swap3A_194, %swap3A_195], %broadcast_in_dim3A_5 {strides = array<i32>} : memref<2x20x1000xf32, #tpu.memory_space<vmem>>, vector<16xf32>,
      %swap3A_197 = arith.constant 0 : i32
      %swap3A_198 = arith.index_cast %swap3A_197 : i32 to index
      %swap3A_199 = arith.index_cast %scan3A_121 : i32 to index
      %swap3A_200 = arith.constant 112 : index
      %swap3A_201 = tpu.vector_load %arg6[%swap3A_198, %swap3A_199, %swap3A_200] {strides = array<i32>} : memref<2x20x1000xf32, #tpu.memory_space<vmem>>, vector<16xf32>,
      tpu.vector_store %arg6[%swap3A_198, %swap3A_199, %swap3A_200], %broadcast_in_dim3A_5 {strides = array<i32>} : memref<2x20x1000xf32, #tpu.memory_space<vmem>>, vector<16xf32>,
      %swap3A_202 = arith.constant 0 : i32
      %swap3A_203 = arith.index_cast %swap3A_202 : i32 to index
      %swap3A_204 = arith.index_cast %scan3A_121 : i32 to index
      %swap3A_205 = arith.constant 128 : index
      %swap3A_206 = tpu.vector_load %arg5[%swap3A_203, %swap3A_204, %swap3A_205] {strides = array<i32>} : memref<2x20x1000xf32, #tpu.memory_space<vmem>>, vector<16xf32>,
      tpu.vector_store %arg5[%swap3A_203, %swap3A_204, %swap3A_205], %broadcast_in_dim3A_5 {strides = array<i32>} : memref<2x20x1000xf32, #tpu.memory_space<vmem>>, vector<16xf32>,
      %swap3A_207 = arith.constant 0 : i32
      %swap3A_208 = arith.index_cast %swap3A_207 : i32 to index
      %swap3A_209 = arith.index_cast %scan3A_121 : i32 to index
      %swap3A_210 = arith.constant 128 : index
      %swap3A_211 = tpu.vector_load %arg6[%swap3A_208, %swap3A_209, %swap3A_210] {strides = array<i32>} : memref<2x20x1000xf32, #tpu.memory_space<vmem>>, vector<16xf32>,
      tpu.vector_store %arg6[%swap3A_208, %swap3A_209, %swap3A_210], %broadcast_in_dim3A_5 {strides = array<i32>} : memref<2x20x1000xf32, #tpu.memory_space<vmem>>, vector<16xf32>,
      %swap3A_212 = arith.constant 0 : i32
      %swap3A_213 = arith.index_cast %swap3A_212 : i32 to index
      %swap3A_214 = arith.index_cast %scan3A_121 : i32 to index
      %swap3A_215 = arith.constant 144 : index
      %swap3A_216 = tpu.vector_load %arg5[%swap3A_213, %swap3A_214, %swap3A_215] {strides = array<i32>} : memref<2x20x1000xf32, #tpu.memory_space<vmem>>, vector<16xf32>,
      tpu.vector_store %arg5[%swap3A_213, %swap3A_214, %swap3A_215], %broadcast_in_dim3A_5 {strides = array<i32>} : memref<2x20x1000xf32, #tpu.memory_space<vmem>>, vector<16xf32>,
      %swap3A_217 = arith.constant 0 : i32
      %swap3A_218 = arith.index_cast %swap3A_217 : i32 to index
      %swap3A_219 = arith.index_cast %scan3A_121 : i32 to index
      %swap3A_220 = arith.constant 144 : index
      %swap3A_221 = tpu.vector_load %arg6[%swap3A_218, %swap3A_219, %swap3A_220] {strides = array<i32>} : memref<2x20x1000xf32, #tpu.memory_space<vmem>>, vector<16xf32>,
      tpu.vector_store %arg6[%swap3A_218, %swap3A_219, %swap3A_220], %broadcast_in_dim3A_5 {strides = array<i32>} : memref<2x20x1000xf32, #tpu.memory_space<vmem>>, vector<16xf32>,
      %swap3A_222 = arith.constant 0 : i32
      %swap3A_223 = arith.index_cast %swap3A_222 : i32 to index
      %swap3A_224 = arith.index_cast %scan3A_121 : i32 to index
      %swap3A_225 = arith.constant 160 : index
      %swap3A_226 = tpu.vector_load %arg5[%swap3A_223, %swap3A_224, %swap3A_225] {strides = array<i32>} : memref<2x20x1000xf32, #tpu.memory_space<vmem>>, vector<16xf32>,
      tpu.vector_store %arg5[%swap3A_223, %swap3A_224, %swap3A_225], %broadcast_in_dim3A_5 {strides = array<i32>} : memref<2x20x1000xf32, #tpu.memory_space<vmem>>, vector<16xf32>,
      %swap3A_227 = arith.constant 0 : i32
      %swap3A_228 = arith.index_cast %swap3A_227 : i32 to index
      %swap3A_229 = arith.index_cast %scan3A_121 : i32 to index
      %swap3A_230 = arith.constant 160 : index
      %swap3A_231 = tpu.vector_load %arg6[%swap3A_228, %swap3A_229, %swap3A_230] {strides = array<i32>} : memref<2x20x1000xf32, #tpu.memory_space<vmem>>, vector<16xf32>,
      tpu.vector_store %arg6[%swap3A_228, %swap3A_229, %swap3A_230], %broadcast_in_dim3A_5 {strides = array<i32>} : memref<2x20x1000xf32, #tpu.memory_space<vmem>>, vector<16xf32>,
      %swap3A_232 = arith.constant 0 : i32
      %swap3A_233 = arith.index_cast %swap3A_232 : i32 to index
      %swap3A_234 = arith.index_cast %scan3A_121 : i32 to index
      %swap3A_235 = arith.constant 176 : index
      %swap3A_236 = tpu.vector_load %arg5[%swap3A_233, %swap3A_234, %swap3A_235] {strides = array<i32>} : memref<2x20x1000xf32, #tpu.memory_space<vmem>>, vector<16xf32>,
      tpu.vector_store %arg5[%swap3A_233, %swap3A_234, %swap3A_235], %broadcast_in_dim3A_5 {strides = array<i32>} : memref<2x20x1000xf32, #tpu.memory_space<vmem>>, vector<16xf32>,
      %swap3A_237 = arith.constant 0 : i32
      %swap3A_238 = arith.index_cast %swap3A_237 : i32 to index
      %swap3A_239 = arith.index_cast %scan3A_121 : i32 to index
      %swap3A_240 = arith.constant 176 : index
      %swap3A_241 = tpu.vector_load %arg6[%swap3A_238, %swap3A_239, %swap3A_240] {strides = array<i32>} : memref<2x20x1000xf32, #tpu.memory_space<vmem>>, vector<16xf32>,
      tpu.vector_store %arg6[%swap3A_238, %swap3A_239, %swap3A_240], %broadcast_in_dim3A_5 {strides = array<i32>} : memref<2x20x1000xf32, #tpu.memory_space<vmem>>, vector<16xf32>,
      %swap3A_242 = arith.constant 0 : i32
      %swap3A_243 = arith.index_cast %swap3A_242 : i32 to index
      %swap3A_244 = arith.index_cast %scan3A_121 : i32 to index
      %swap3A_245 = arith.constant 192 : index
      %swap3A_246 = tpu.vector_load %arg5[%swap3A_243, %swap3A_244, %swap3A_245] {strides = array<i32>} : memref<2x20x1000xf32, #tpu.memory_space<vmem>>, vector<16xf32>,
      tpu.vector_store %arg5[%swap3A_243, %swap3A_244, %swap3A_245], %broadcast_in_dim3A_5 {strides = array<i32>} : memref<2x20x1000xf32, #tpu.memory_space<vmem>>, vector<16xf32>,
      %swap3A_247 = arith.constant 0 : i32
      %swap3A_248 = arith.index_cast %swap3A_247 : i32 to index
      %swap3A_249 = arith.index_cast %scan3A_121 : i32 to index
      %swap3A_250 = arith.constant 192 : index
      %swap3A_251 = tpu.vector_load %arg6[%swap3A_248, %swap3A_249, %swap3A_250] {strides = array<i32>} : memref<2x20x1000xf32, #tpu.memory_space<vmem>>, vector<16xf32>,
      tpu.vector_store %arg6[%swap3A_248, %swap3A_249, %swap3A_250], %broadcast_in_dim3A_5 {strides = array<i32>} : memref<2x20x1000xf32, #tpu.memory_space<vmem>>, vector<16xf32>,
      %swap3A_252 = arith.constant 0 : i32
      %swap3A_253 = arith.index_cast %swap3A_252 : i32 to index
      %swap3A_254 = arith.index_cast %scan3A_121 : i32 to index
      %swap3A_255 = arith.constant 208 : index
      %swap3A_256 = tpu.vector_load %arg5[%swap3A_253, %swap3A_254, %swap3A_255] {strides = array<i32>} : memref<2x20x1000xf32, #tpu.memory_space<vmem>>, vector<16xf32>,
      tpu.vector_store %arg5[%swap3A_253, %swap3A_254, %swap3A_255], %broadcast_in_dim3A_5 {strides = array<i32>} : memref<2x20x1000xf32, #tpu.memory_space<vmem>>, vector<16xf32>,
      %swap3A_257 = arith.constant 0 : i32
      %swap3A_258 = arith.index_cast %swap3A_257 : i32 to index
      %swap3A_259 = arith.index_cast %scan3A_121 : i32 to index
      %swap3A_260 = arith.constant 208 : index
      %swap3A_261 = tpu.vector_load %arg6[%swap3A_258, %swap3A_259, %swap3A_260] {strides = array<i32>} : memref<2x20x1000xf32, #tpu.memory_space<vmem>>, vector<16xf32>,
      tpu.vector_store %arg6[%swap3A_258, %swap3A_259, %swap3A_260], %broadcast_in_dim3A_5 {strides = array<i32>} : memref<2x20x1000xf32, #tpu.memory_space<vmem>>, vector<16xf32>,
      %swap3A_262 = arith.constant 0 : i32
      %swap3A_263 = arith.index_cast %swap3A_262 : i32 to index
      %swap3A_264 = arith.index_cast %scan3A_121 : i32 to index
      %swap3A_265 = arith.constant 224 : index
      %swap3A_266 = tpu.vector_load %arg5[%swap3A_263, %swap3A_264, %swap3A_265] {strides = array<i32>} : memref<2x20x1000xf32, #tpu.memory_space<vmem>>, vector<16xf32>,
      tpu.vector_store %arg5[%swap3A_263, %swap3A_264, %swap3A_265], %broadcast_in_dim3A_5 {strides = array<i32>} : memref<2x20x1000xf32, #tpu.memory_space<vmem>>, vector<16xf32>,
      %swap3A_267 = arith.constant 0 : i32
      %swap3A_268 = arith.index_cast %swap3A_267 : i32 to index
      %swap3A_269 = arith.index_cast %scan3A_121 : i32 to index
      %swap3A_270 = arith.constant 224 : index
      %swap3A_271 = tpu.vector_load %arg6[%swap3A_268, %swap3A_269, %swap3A_270] {strides = array<i32>} : memref<2x20x1000xf32, #tpu.memory_space<vmem>>, vector<16xf32>,
      tpu.vector_store %arg6[%swap3A_268, %swap3A_269, %swap3A_270], %broadcast_in_dim3A_5 {strides = array<i32>} : memref<2x20x1000xf32, #tpu.memory_space<vmem>>, vector<16xf32>,
      %swap3A_272 = arith.constant 0 : i32
      %swap3A_273 = arith.index_cast %swap3A_272 : i32 to index
      %swap3A_274 = arith.index_cast %scan3A_121 : i32 to index
      %swap3A_275 = arith.constant 240 : index
      %swap3A_276 = tpu.vector_load %arg5[%swap3A_273, %swap3A_274, %swap3A_275] {strides = array<i32>} : memref<2x20x1000xf32, #tpu.memory_space<vmem>>, vector<16xf32>,
      tpu.vector_store %arg5[%swap3A_273, %swap3A_274, %swap3A_275], %broadcast_in_dim3A_5 {strides = array<i32>} : memref<2x20x1000xf32, #tpu.memory_space<vmem>>, vector<16xf32>,
      %swap3A_277 = arith.constant 0 : i32
      %swap3A_278 = arith.index_cast %swap3A_277 : i32 to index
      %swap3A_279 = arith.index_cast %scan3A_121 : i32 to index
      %swap3A_280 = arith.constant 240 : index
      %swap3A_281 = tpu.vector_load %arg6[%swap3A_278, %swap3A_279, %swap3A_280] {strides = array<i32>} : memref<2x20x1000xf32, #tpu.memory_space<vmem>>, vector<16xf32>,
      tpu.vector_store %arg6[%swap3A_278, %swap3A_279, %swap3A_280], %broadcast_in_dim3A_5 {strides = array<i32>} : memref<2x20x1000xf32, #tpu.memory_space<vmem>>, vector<16xf32>,
      %swap3A_282 = arith.constant 0 : i32
      %swap3A_283 = arith.index_cast %swap3A_282 : i32 to index
      %swap3A_284 = arith.index_cast %scan3A_121 : i32 to index
      %swap3A_285 = arith.constant 256 : index
      %swap3A_286 = tpu.vector_load %arg5[%swap3A_283, %swap3A_284, %swap3A_285] {strides = array<i32>} : memref<2x20x1000xf32, #tpu.memory_space<vmem>>, vector<16xf32>,
      tpu.vector_store %arg5[%swap3A_283, %swap3A_284, %swap3A_285], %broadcast_in_dim3A_5 {strides = array<i32>} : memref<2x20x1000xf32, #tpu.memory_space<vmem>>, vector<16xf32>,
      %swap3A_287 = arith.constant 0 : i32
      %swap3A_288 = arith.index_cast %swap3A_287 : i32 to index
      %swap3A_289 = arith.index_cast %scan3A_121 : i32 to index
      %swap3A_290 = arith.constant 256 : index
      %swap3A_291 = tpu.vector_load %arg6[%swap3A_288, %swap3A_289, %swap3A_290] {strides = array<i32>} : memref<2x20x1000xf32, #tpu.memory_space<vmem>>, vector<16xf32>,
      tpu.vector_store %arg6[%swap3A_288, %swap3A_289, %swap3A_290], %broadcast_in_dim3A_5 {strides = array<i32>} : memref<2x20x1000xf32, #tpu.memory_space<vmem>>, vector<16xf32>,
      %swap3A_292 = arith.constant 0 : i32
      %swap3A_293 = arith.index_cast %swap3A_292 : i32 to index
      %swap3A_294 = arith.index_cast %scan3A_121 : i32 to index
      %swap3A_295 = arith.constant 272 : index
      %swap3A_296 = tpu.vector_load %arg5[%swap3A_293, %swap3A_294, %swap3A_295] {strides = array<i32>} : memref<2x20x1000xf32, #tpu.memory_space<vmem>>, vector<16xf32>,
      tpu.vector_store %arg5[%swap3A_293, %swap3A_294, %swap3A_295], %broadcast_in_dim3A_5 {strides = array<i32>} : memref<2x20x1000xf32, #tpu.memory_space<vmem>>, vector<16xf32>,
      %swap3A_297 = arith.constant 0 : i32
      %swap3A_298 = arith.index_cast %swap3A_297 : i32 to index
      %swap3A_299 = arith.index_cast %scan3A_121 : i32 to index
      %swap3A_300 = arith.constant 272 : index
      %swap3A_301 = tpu.vector_load %arg6[%swap3A_298, %swap3A_299, %swap3A_300] {strides = array<i32>} : memref<2x20x1000xf32, #tpu.memory_space<vmem>>, vector<16xf32>,
      tpu.vector_store %arg6[%swap3A_298, %swap3A_299, %swap3A_300], %broadcast_in_dim3A_5 {strides = array<i32>} : memref<2x20x1000xf32, #tpu.memory_space<vmem>>, vector<16xf32>,
      %swap3A_302 = arith.constant 0 : i32
      %swap3A_303 = arith.index_cast %swap3A_302 : i32 to index
      %swap3A_304 = arith.index_cast %scan3A_121 : i32 to index
      %swap3A_305 = arith.constant 288 : index
      %swap3A_306 = tpu.vector_load %arg5[%swap3A_303, %swap3A_304, %swap3A_305] {strides = array<i32>} : memref<2x20x1000xf32, #tpu.memory_space<vmem>>, vector<16xf32>,
      tpu.vector_store %arg5[%swap3A_303, %swap3A_304, %swap3A_305], %broadcast_in_dim3A_5 {strides = array<i32>} : memref<2x20x1000xf32, #tpu.memory_space<vmem>>, vector<16xf32>,
      %swap3A_307 = arith.constant 0 : i32
      %swap3A_308 = arith.index_cast %swap3A_307 : i32 to index
      %swap3A_309 = arith.index_cast %scan3A_121 : i32 to index
      %swap3A_310 = arith.constant 288 : index
      %swap3A_311 = tpu.vector_load %arg6[%swap3A_308, %swap3A_309, %swap3A_310] {strides = array<i32>} : memref<2x20x1000xf32, #tpu.memory_space<vmem>>, vector<16xf32>,
      tpu.vector_store %arg6[%swap3A_308, %swap3A_309, %swap3A_310], %broadcast_in_dim3A_5 {strides = array<i32>} : memref<2x20x1000xf32, #tpu.memory_space<vmem>>, vector<16xf32>,
      %swap3A_312 = arith.constant 0 : i32
      %swap3A_313 = arith.index_cast %swap3A_312 : i32 to index
      %swap3A_314 = arith.index_cast %scan3A_121 : i32 to index
      %swap3A_315 = arith.constant 304 : index
      %swap3A_316 = tpu.vector_load %arg5[%swap3A_313, %swap3A_314, %swap3A_315] {strides = array<i32>} : memref<2x20x1000xf32, #tpu.memory_space<vmem>>, vector<16xf32>,
      tpu.vector_store %arg5[%swap3A_313, %swap3A_314, %swap3A_315], %broadcast_in_dim3A_5 {strides = array<i32>} : memref<2x20x1000xf32, #tpu.memory_space<vmem>>, vector<16xf32>,
      %swap3A_317 = arith.constant 0 : i32
      %swap3A_318 = arith.index_cast %swap3A_317 : i32 to index
      %swap3A_319 = arith.index_cast %scan3A_121 : i32 to index
      %swap3A_320 = arith.constant 304 : index
      %swap3A_321 = tpu.vector_load %arg6[%swap3A_318, %swap3A_319, %swap3A_320] {strides = array<i32>} : memref<2x20x1000xf32, #tpu.memory_space<vmem>>, vector<16xf32>,
      tpu.vector_store %arg6[%swap3A_318, %swap3A_319, %swap3A_320], %broadcast_in_dim3A_5 {strides = array<i32>} : memref<2x20x1000xf32, #tpu.memory_space<vmem>>, vector<16xf32>,
      %swap3A_322 = arith.constant 0 : i32
      %swap3A_323 = arith.index_cast %swap3A_322 : i32 to index
      %swap3A_324 = arith.index_cast %scan3A_121 : i32 to index
      %swap3A_325 = arith.constant 320 : index
      %swap3A_326 = tpu.vector_load %arg5[%swap3A_323, %swap3A_324, %swap3A_325] {strides = array<i32>} : memref<2x20x1000xf32, #tpu.memory_space<vmem>>, vector<16xf32>,
      tpu.vector_store %arg5[%swap3A_323, %swap3A_324, %swap3A_325], %broadcast_in_dim3A_5 {strides = array<i32>} : memref<2x20x1000xf32, #tpu.memory_space<vmem>>, vector<16xf32>,
      %swap3A_327 = arith.constant 0 : i32
      %swap3A_328 = arith.index_cast %swap3A_327 : i32 to index
      %swap3A_329 = arith.index_cast %scan3A_121 : i32 to index
      %swap3A_330 = arith.constant 320 : index
      %swap3A_331 = tpu.vector_load %arg6[%swap3A_328, %swap3A_329, %swap3A_330] {strides = array<i32>} : memref<2x20x1000xf32, #tpu.memory_space<vmem>>, vector<16xf32>,
      tpu.vector_store %arg6[%swap3A_328, %swap3A_329, %swap3A_330], %broadcast_in_dim3A_5 {strides = array<i32>} : memref<2x20x1000xf32, #tpu.memory_space<vmem>>, vector<16xf32>,
      %swap3A_332 = arith.constant 0 : i32
      %swap3A_333 = arith.index_cast %swap3A_332 : i32 to index
      %swap3A_334 = arith.index_cast %scan3A_121 : i32 to index
      %swap3A_335 = arith.constant 336 : index
      %swap3A_336 = tpu.vector_load %arg5[%swap3A_333, %swap3A_334, %swap3A_335] {strides = array<i32>} : memref<2x20x1000xf32, #tpu.memory_space<vmem>>, vector<16xf32>,
      tpu.vector_store %arg5[%swap3A_333, %swap3A_334, %swap3A_335], %broadcast_in_dim3A_5 {strides = array<i32>} : memref<2x20x1000xf32, #tpu.memory_space<vmem>>, vector<16xf32>,
      %swap3A_337 = arith.constant 0 : i32
      %swap3A_338 = arith.index_cast %swap3A_337 : i32 to index
      %swap3A_339 = arith.index_cast %scan3A_121 : i32 to index
      %swap3A_340 = arith.constant 336 : index
      %swap3A_341 = tpu.vector_load %arg6[%swap3A_338, %swap3A_339, %swap3A_340] {strides = array<i32>} : memref<2x20x1000xf32, #tpu.memory_space<vmem>>, vector<16xf32>,
      tpu.vector_store %arg6[%swap3A_338, %swap3A_339, %swap3A_340], %broadcast_in_dim3A_5 {strides = array<i32>} : memref<2x20x1000xf32, #tpu.memory_space<vmem>>, vector<16xf32>,
      %swap3A_342 = arith.constant 0 : i32
      %swap3A_343 = arith.index_cast %swap3A_342 : i32 to index
      %swap3A_344 = arith.index_cast %scan3A_121 : i32 to index
      %swap3A_345 = arith.constant 352 : index
      %swap3A_346 = tpu.vector_load %arg5[%swap3A_343, %swap3A_344, %swap3A_345] {strides = array<i32>} : memref<2x20x1000xf32, #tpu.memory_space<vmem>>, vector<16xf32>,
      tpu.vector_store %arg5[%swap3A_343, %swap3A_344, %swap3A_345], %broadcast_in_dim3A_5 {strides = array<i32>} : memref<2x20x1000xf32, #tpu.memory_space<vmem>>, vector<16xf32>,
      %swap3A_347 = arith.constant 0 : i32
      %swap3A_348 = arith.index_cast %swap3A_347 : i32 to index
      %swap3A_349 = arith.index_cast %scan3A_121 : i32 to index
      %swap3A_350 = arith.constant 352 : index
      %swap3A_351 = tpu.vector_load %arg6[%swap3A_348, %swap3A_349, %swap3A_350] {strides = array<i32>} : memref<2x20x1000xf32, #tpu.memory_space<vmem>>, vector<16xf32>,
      tpu.vector_store %arg6[%swap3A_348, %swap3A_349, %swap3A_350], %broadcast_in_dim3A_5 {strides = array<i32>} : memref<2x20x1000xf32, #tpu.memory_space<vmem>>, vector<16xf32>,
      %swap3A_352 = arith.constant 0 : i32
      %swap3A_353 = arith.index_cast %swap3A_352 : i32 to index
      %swap3A_354 = arith.index_cast %scan3A_121 : i32 to index
      %swap3A_355 = arith.constant 368 : index
      %swap3A_356 = tpu.vector_load %arg5[%swap3A_353, %swap3A_354, %swap3A_355] {strides = array<i32>} : memref<2x20x1000xf32, #tpu.memory_space<vmem>>, vector<16xf32>,
      tpu.vector_store %arg5[%swap3A_353, %swap3A_354, %swap3A_355], %broadcast_in_dim3A_5 {strides = array<i32>} : memref<2x20x1000xf32, #tpu.memory_space<vmem>>, vector<16xf32>,
      %swap3A_357 = arith.constant 0 : i32
      %swap3A_358 = arith.index_cast %swap3A_357 : i32 to index
      %swap3A_359 = arith.index_cast %scan3A_121 : i32 to index
      %swap3A_360 = arith.constant 368 : index
      %swap3A_361 = tpu.vector_load %arg6[%swap3A_358, %swap3A_359, %swap3A_360] {strides = array<i32>} : memref<2x20x1000xf32, #tpu.memory_space<vmem>>, vector<16xf32>,
      tpu.vector_store %arg6[%swap3A_358, %swap3A_359, %swap3A_360], %broadcast_in_dim3A_5 {strides = array<i32>} : memref<2x20x1000xf32, #tpu.memory_space<vmem>>, vector<16xf32>,
      %swap3A_362 = arith.constant 0 : i32
      %swap3A_363 = arith.index_cast %swap3A_362 : i32 to index
      %swap3A_364 = arith.index_cast %scan3A_121 : i32 to index
      %swap3A_365 = arith.constant 384 : index
      %swap3A_366 = tpu.vector_load %arg5[%swap3A_363, %swap3A_364, %swap3A_365] {strides = array<i32>} : memref<2x20x1000xf32, #tpu.memory_space<vmem>>, vector<16xf32>,
      tpu.vector_store %arg5[%swap3A_363, %swap3A_364, %swap3A_365], %broadcast_in_dim3A_5 {strides = array<i32>} : memref<2x20x1000xf32, #tpu.memory_space<vmem>>, vector<16xf32>,
      %swap3A_367 = arith.constant 0 : i32
      %swap3A_368 = arith.index_cast %swap3A_367 : i32 to index
      %swap3A_369 = arith.index_cast %scan3A_121 : i32 to index
      %swap3A_370 = arith.constant 384 : index
      %swap3A_371 = tpu.vector_load %arg6[%swap3A_368, %swap3A_369, %swap3A_370] {strides = array<i32>} : memref<2x20x1000xf32, #tpu.memory_space<vmem>>, vector<16xf32>,
      tpu.vector_store %arg6[%swap3A_368, %swap3A_369, %swap3A_370], %broadcast_in_dim3A_5 {strides = array<i32>} : memref<2x20x1000xf32, #tpu.memory_space<vmem>>, vector<16xf32>,
      %swap3A_372 = arith.constant 0 : i32
      %swap3A_373 = arith.index_cast %swap3A_372 : i32 to index
      %swap3A_374 = arith.index_cast %scan3A_121 : i32 to index
      %swap3A_375 = arith.constant 400 : index
      %swap3A_376 = tpu.vector_load %arg5[%swap3A_373, %swap3A_374, %swap3A_375] {strides = array<i32>} : memref<2x20x1000xf32, #tpu.memory_space<vmem>>, vector<16xf32>,
      tpu.vector_store %arg5[%swap3A_373, %swap3A_374, %swap3A_375], %broadcast_in_dim3A_5 {strides = array<i32>} : memref<2x20x1000xf32, #tpu.memory_space<vmem>>, vector<16xf32>,
      %swap3A_377 = arith.constant 0 : i32
      %swap3A_378 = arith.index_cast %swap3A_377 : i32 to index
      %swap3A_379 = arith.index_cast %scan3A_121 : i32 to index
      %swap3A_380 = arith.constant 400 : index
      %swap3A_381 = tpu.vector_load %arg6[%swap3A_378, %swap3A_379, %swap3A_380] {strides = array<i32>} : memref<2x20x1000xf32, #tpu.memory_space<vmem>>, vector<16xf32>,
      tpu.vector_store %arg6[%swap3A_378, %swap3A_379, %swap3A_380], %broadcast_in_dim3A_5 {strides = array<i32>} : memref<2x20x1000xf32, #tpu.memory_space<vmem>>, vector<16xf32>,
      %swap3A_382 = arith.constant 0 : i32
      %swap3A_383 = arith.index_cast %swap3A_382 : i32 to index
      %swap3A_384 = arith.index_cast %scan3A_121 : i32 to index
      %swap3A_385 = arith.constant 416 : index
      %swap3A_386 = tpu.vector_load %arg5[%swap3A_383, %swap3A_384, %swap3A_385] {strides = array<i32>} : memref<2x20x1000xf32, #tpu.memory_space<vmem>>, vector<16xf32>,
      tpu.vector_store %arg5[%swap3A_383, %swap3A_384, %swap3A_385], %broadcast_in_dim3A_5 {strides = array<i32>} : memref<2x20x1000xf32, #tpu.memory_space<vmem>>, vector<16xf32>,
      %swap3A_387 = arith.constant 0 : i32
      %swap3A_388 = arith.index_cast %swap3A_387 : i32 to index
      %swap3A_389 = arith.index_cast %scan3A_121 : i32 to index
      %swap3A_390 = arith.constant 416 : index
      %swap3A_391 = tpu.vector_load %arg6[%swap3A_388, %swap3A_389, %swap3A_390] {strides = array<i32>} : memref<2x20x1000xf32, #tpu.memory_space<vmem>>, vector<16xf32>,
      tpu.vector_store %arg6[%swap3A_388, %swap3A_389, %swap3A_390], %broadcast_in_dim3A_5 {strides = array<i32>} : memref<2x20x1000xf32, #tpu.memory_space<vmem>>, vector<16xf32>,
      %swap3A_392 = arith.constant 0 : i32
      %swap3A_393 = arith.index_cast %swap3A_392 : i32 to index
      %swap3A_394 = arith.index_cast %scan3A_121 : i32 to index
      %swap3A_395 = arith.constant 432 : index
      %swap3A_396 = tpu.vector_load %arg5[%swap3A_393, %swap3A_394, %swap3A_395] {strides = array<i32>} : memref<2x20x1000xf32, #tpu.memory_space<vmem>>, vector<16xf32>,
      tpu.vector_store %arg5[%swap3A_393, %swap3A_394, %swap3A_395], %broadcast_in_dim3A_5 {strides = array<i32>} : memref<2x20x1000xf32, #tpu.memory_space<vmem>>, vector<16xf32>,
      %swap3A_397 = arith.constant 0 : i32
      %swap3A_398 = arith.index_cast %swap3A_397 : i32 to index
      %swap3A_399 = arith.index_cast %scan3A_121 : i32 to index
      %swap3A_400 = arith.constant 432 : index
      %swap3A_401 = tpu.vector_load %arg6[%swap3A_398, %swap3A_399, %swap3A_400] {strides = array<i32>} : memref<2x20x1000xf32, #tpu.memory_space<vmem>>, vector<16xf32>,
      tpu.vector_store %arg6[%swap3A_398, %swap3A_399, %swap3A_400], %broadcast_in_dim3A_5 {strides = array<i32>} : memref<2x20x1000xf32, #tpu.memory_space<vmem>>, vector<16xf32>,
      %swap3A_402 = arith.constant 0 : i32
      %swap3A_403 = arith.index_cast %swap3A_402 : i32 to index
      %swap3A_404 = arith.index_cast %scan3A_121 : i32 to index
      %swap3A_405 = arith.constant 448 : index
      %swap3A_406 = tpu.vector_load %arg5[%swap3A_403, %swap3A_404, %swap3A_405] {strides = array<i32>} : memref<2x20x1000xf32, #tpu.memory_space<vmem>>, vector<16xf32>,
      tpu.vector_store %arg5[%swap3A_403, %swap3A_404, %swap3A_405], %broadcast_in_dim3A_5 {strides = array<i32>} : memref<2x20x1000xf32, #tpu.memory_space<vmem>>, vector<16xf32>,
      %swap3A_407 = arith.constant 0 : i32
      %swap3A_408 = arith.index_cast %swap3A_407 : i32 to index
      %swap3A_409 = arith.index_cast %scan3A_121 : i32 to index
      %swap3A_410 = arith.constant 448 : index
      %swap3A_411 = tpu.vector_load %arg6[%swap3A_408, %swap3A_409, %swap3A_410] {strides = array<i32>} : memref<2x20x1000xf32, #tpu.memory_space<vmem>>, vector<16xf32>,
      tpu.vector_store %arg6[%swap3A_408, %swap3A_409, %swap3A_410], %broadcast_in_dim3A_5 {strides = array<i32>} : memref<2x20x1000xf32, #tpu.memory_space<vmem>>, vector<16xf32>,
      %swap3A_412 = arith.constant 0 : i32
      %swap3A_413 = arith.index_cast %swap3A_412 : i32 to index
      %swap3A_414 = arith.index_cast %scan3A_121 : i32 to index
      %swap3A_415 = arith.constant 464 : index
      %swap3A_416 = tpu.vector_load %arg5[%swap3A_413, %swap3A_414, %swap3A_415] {strides = array<i32>} : memref<2x20x1000xf32, #tpu.memory_space<vmem>>, vector<16xf32>,
      tpu.vector_store %arg5[%swap3A_413, %swap3A_414, %swap3A_415], %broadcast_in_dim3A_5 {strides = array<i32>} : memref<2x20x1000xf32, #tpu.memory_space<vmem>>, vector<16xf32>,
      %swap3A_417 = arith.constant 0 : i32
      %swap3A_418 = arith.index_cast %swap3A_417 : i32 to index
      %swap3A_419 = arith.index_cast %scan3A_121 : i32 to index
      %swap3A_420 = arith.constant 464 : index
      %swap3A_421 = tpu.vector_load %arg6[%swap3A_418, %swap3A_419, %swap3A_420] {strides = array<i32>} : memref<2x20x1000xf32, #tpu.memory_space<vmem>>, vector<16xf32>,
      tpu.vector_store %arg6[%swap3A_418, %swap3A_419, %swap3A_420], %broadcast_in_dim3A_5 {strides = array<i32>} : memref<2x20x1000xf32, #tpu.memory_space<vmem>>, vector<16xf32>,
      %swap3A_422 = arith.constant 0 : i32
      %swap3A_423 = arith.index_cast %swap3A_422 : i32 to index
      %swap3A_424 = arith.index_cast %scan3A_121 : i32 to index
      %swap3A_425 = arith.constant 480 : index
      %swap3A_426 = tpu.vector_load %arg5[%swap3A_423, %swap3A_424, %swap3A_425] {strides = array<i32>} : memref<2x20x1000xf32, #tpu.memory_space<vmem>>, vector<16xf32>,
      tpu.vector_store %arg5[%swap3A_423, %swap3A_424, %swap3A_425], %broadcast_in_dim3A_5 {strides = array<i32>} : memref<2x20x1000xf32, #tpu.memory_space<vmem>>, vector<16xf32>,
      %swap3A_427 = arith.constant 0 : i32
      %swap3A_428 = arith.index_cast %swap3A_427 : i32 to index
      %swap3A_429 = arith.index_cast %scan3A_121 : i32 to index
      %swap3A_430 = arith.constant 480 : index
      %swap3A_431 = tpu.vector_load %arg6[%swap3A_428, %swap3A_429, %swap3A_430] {strides = array<i32>} : memref<2x20x1000xf32, #tpu.memory_space<vmem>>, vector<16xf32>,
      tpu.vector_store %arg6[%swap3A_428, %swap3A_429, %swap3A_430], %broadcast_in_dim3A_5 {strides = array<i32>} : memref<2x20x1000xf32, #tpu.memory_space<vmem>>, vector<16xf32>,
      %swap3A_432 = arith.constant 0 : i32
      %swap3A_433 = arith.index_cast %swap3A_432 : i32 to index
      %swap3A_434 = arith.index_cast %scan3A_121 : i32 to index
      %swap3A_435 = arith.constant 496 : index
      %swap3A_436 = tpu.vector_load %arg5[%swap3A_433, %swap3A_434, %swap3A_435] {strides = array<i32>} : memref<2x20x1000xf32, #tpu.memory_space<vmem>>, vector<16xf32>,
      tpu.vector_store %arg5[%swap3A_433, %swap3A_434, %swap3A_435], %broadcast_in_dim3A_5 {strides = array<i32>} : memref<2x20x1000xf32, #tpu.memory_space<vmem>>, vector<16xf32>,
      %swap3A_437 = arith.constant 0 : i32
      %swap3A_438 = arith.index_cast %swap3A_437 : i32 to index
      %swap3A_439 = arith.index_cast %scan3A_121 : i32 to index
      %swap3A_440 = arith.constant 496 : index
      %swap3A_441 = tpu.vector_load %arg6[%swap3A_438, %swap3A_439, %swap3A_440] {strides = array<i32>} : memref<2x20x1000xf32, #tpu.memory_space<vmem>>, vector<16xf32>,
      tpu.vector_store %arg6[%swap3A_438, %swap3A_439, %swap3A_440], %broadcast_in_dim3A_5 {strides = array<i32>} : memref<2x20x1000xf32, #tpu.memory_space<vmem>>, vector<16xf32>,
      %swap3A_442 = arith.constant 0 : i32
      %swap3A_443 = arith.index_cast %swap3A_442 : i32 to index
      %swap3A_444 = arith.index_cast %scan3A_121 : i32 to index
      %swap3A_445 = arith.constant 512 : index
      %swap3A_446 = tpu.vector_load %arg5[%swap3A_443, %swap3A_444, %swap3A_445] {strides = array<i32>} : memref<2x20x1000xf32, #tpu.memory_space<vmem>>, vector<16xf32>,
      tpu.vector_store %arg5[%swap3A_443, %swap3A_444, %swap3A_445], %broadcast_in_dim3A_5 {strides = array<i32>} : memref<2x20x1000xf32, #tpu.memory_space<vmem>>, vector<16xf32>,
      %swap3A_447 = arith.constant 0 : i32
      %swap3A_448 = arith.index_cast %swap3A_447 : i32 to index
      %swap3A_449 = arith.index_cast %scan3A_121 : i32 to index
      %swap3A_450 = arith.constant 512 : index
      %swap3A_451 = tpu.vector_load %arg6[%swap3A_448, %swap3A_449, %swap3A_450] {strides = array<i32>} : memref<2x20x1000xf32, #tpu.memory_space<vmem>>, vector<16xf32>,
      tpu.vector_store %arg6[%swap3A_448, %swap3A_449, %swap3A_450], %broadcast_in_dim3A_5 {strides = array<i32>} : memref<2x20x1000xf32, #tpu.memory_space<vmem>>, vector<16xf32>,
      %swap3A_452 = arith.constant 0 : i32
      %swap3A_453 = arith.index_cast %swap3A_452 : i32 to index
      %swap3A_454 = arith.index_cast %scan3A_121 : i32 to index
      %swap3A_455 = arith.constant 528 : index
      %swap3A_456 = tpu.vector_load %arg5[%swap3A_453, %swap3A_454, %swap3A_455] {strides = array<i32>} : memref<2x20x1000xf32, #tpu.memory_space<vmem>>, vector<16xf32>,
      tpu.vector_store %arg5[%swap3A_453, %swap3A_454, %swap3A_455], %broadcast_in_dim3A_5 {strides = array<i32>} : memref<2x20x1000xf32, #tpu.memory_space<vmem>>, vector<16xf32>,
      %swap3A_457 = arith.constant 0 : i32
      %swap3A_458 = arith.index_cast %swap3A_457 : i32 to index
      %swap3A_459 = arith.index_cast %scan3A_121 : i32 to index
      %swap3A_460 = arith.constant 528 : index
      %swap3A_461 = tpu.vector_load %arg6[%swap3A_458, %swap3A_459, %swap3A_460] {strides = array<i32>} : memref<2x20x1000xf32, #tpu.memory_space<vmem>>, vector<16xf32>,
      tpu.vector_store %arg6[%swap3A_458, %swap3A_459, %swap3A_460], %broadcast_in_dim3A_5 {strides = array<i32>} : memref<2x20x1000xf32, #tpu.memory_space<vmem>>, vector<16xf32>,
      %swap3A_462 = arith.constant 0 : i32
      %swap3A_463 = arith.index_cast %swap3A_462 : i32 to index
      %swap3A_464 = arith.index_cast %scan3A_121 : i32 to index
      %swap3A_465 = arith.constant 544 : index
      %swap3A_466 = tpu.vector_load %arg5[%swap3A_463, %swap3A_464, %swap3A_465] {strides = array<i32>} : memref<2x20x1000xf32, #tpu.memory_space<vmem>>, vector<16xf32>,
      tpu.vector_store %arg5[%swap3A_463, %swap3A_464, %swap3A_465], %broadcast_in_dim3A_5 {strides = array<i32>} : memref<2x20x1000xf32, #tpu.memory_space<vmem>>, vector<16xf32>,
      %swap3A_467 = arith.constant 0 : i32
      %swap3A_468 = arith.index_cast %swap3A_467 : i32 to index
      %swap3A_469 = arith.index_cast %scan3A_121 : i32 to index
      %swap3A_470 = arith.constant 544 : index
      %swap3A_471 = tpu.vector_load %arg6[%swap3A_468, %swap3A_469, %swap3A_470] {strides = array<i32>} : memref<2x20x1000xf32, #tpu.memory_space<vmem>>, vector<16xf32>,
      tpu.vector_store %arg6[%swap3A_468, %swap3A_469, %swap3A_470], %broadcast_in_dim3A_5 {strides = array<i32>} : memref<2x20x1000xf32, #tpu.memory_space<vmem>>, vector<16xf32>,
      %swap3A_472 = arith.constant 0 : i32
      %swap3A_473 = arith.index_cast %swap3A_472 : i32 to index
      %swap3A_474 = arith.index_cast %scan3A_121 : i32 to index
      %swap3A_475 = arith.constant 560 : index
      %swap3A_476 = tpu.vector_load %arg5[%swap3A_473, %swap3A_474, %swap3A_475] {strides = array<i32>} : memref<2x20x1000xf32, #tpu.memory_space<vmem>>, vector<16xf32>,
      tpu.vector_store %arg5[%swap3A_473, %swap3A_474, %swap3A_475], %broadcast_in_dim3A_5 {strides = array<i32>} : memref<2x20x1000xf32, #tpu.memory_space<vmem>>, vector<16xf32>,
      %swap3A_477 = arith.constant 0 : i32
      %swap3A_478 = arith.index_cast %swap3A_477 : i32 to index
      %swap3A_479 = arith.index_cast %scan3A_121 : i32 to index
      %swap3A_480 = arith.constant 560 : index
      %swap3A_481 = tpu.vector_load %arg6[%swap3A_478, %swap3A_479, %swap3A_480] {strides = array<i32>} : memref<2x20x1000xf32, #tpu.memory_space<vmem>>, vector<16xf32>,
      tpu.vector_store %arg6[%swap3A_478, %swap3A_479, %swap3A_480], %broadcast_in_dim3A_5 {strides = array<i32>} : memref<2x20x1000xf32, #tpu.memory_space<vmem>>, vector<16xf32>,
      %swap3A_482 = arith.constant 0 : i32
      %swap3A_483 = arith.index_cast %swap3A_482 : i32 to index
      %swap3A_484 = arith.index_cast %scan3A_121 : i32 to index
      %swap3A_485 = arith.constant 576 : index
      %swap3A_486 = tpu.vector_load %arg5[%swap3A_483, %swap3A_484, %swap3A_485] {strides = array<i32>} : memref<2x20x1000xf32, #tpu.memory_space<vmem>>, vector<16xf32>,
      tpu.vector_store %arg5[%swap3A_483, %swap3A_484, %swap3A_485], %broadcast_in_dim3A_5 {strides = array<i32>} : memref<2x20x1000xf32, #tpu.memory_space<vmem>>, vector<16xf32>,
      %swap3A_487 = arith.constant 0 : i32
      %swap3A_488 = arith.index_cast %swap3A_487 : i32 to index
      %swap3A_489 = arith.index_cast %scan3A_121 : i32 to index
      %swap3A_490 = arith.constant 576 : index
      %swap3A_491 = tpu.vector_load %arg6[%swap3A_488, %swap3A_489, %swap3A_490] {strides = array<i32>} : memref<2x20x1000xf32, #tpu.memory_space<vmem>>, vector<16xf32>,
      tpu.vector_store %arg6[%swap3A_488, %swap3A_489, %swap3A_490], %broadcast_in_dim3A_5 {strides = array<i32>} : memref<2x20x1000xf32, #tpu.memory_space<vmem>>, vector<16xf32>,
      %swap3A_492 = arith.constant 0 : i32
      %swap3A_493 = arith.index_cast %swap3A_492 : i32 to index
      %swap3A_494 = arith.index_cast %scan3A_121 : i32 to index
      %swap3A_495 = arith.constant 592 : index
      %swap3A_496 = tpu.vector_load %arg5[%swap3A_493, %swap3A_494, %swap3A_495] {strides = array<i32>} : memref<2x20x1000xf32, #tpu.memory_space<vmem>>, vector<16xf32>,
      tpu.vector_store %arg5[%swap3A_493, %swap3A_494, %swap3A_495], %broadcast_in_dim3A_5 {strides = array<i32>} : memref<2x20x1000xf32, #tpu.memory_space<vmem>>, vector<16xf32>,
      %swap3A_497 = arith.constant 0 : i32
      %swap3A_498 = arith.index_cast %swap3A_497 : i32 to index
      %swap3A_499 = arith.index_cast %scan3A_121 : i32 to index
      %swap3A_500 = arith.constant 592 : index
      %swap3A_501 = tpu.vector_load %arg6[%swap3A_498, %swap3A_499, %swap3A_500] {strides = array<i32>} : memref<2x20x1000xf32, #tpu.memory_space<vmem>>, vector<16xf32>,
      tpu.vector_store %arg6[%swap3A_498, %swap3A_499, %swap3A_500], %broadcast_in_dim3A_5 {strides = array<i32>} : memref<2x20x1000xf32, #tpu.memory_space<vmem>>, vector<16xf32>,
      %swap3A_502 = arith.constant 0 : i32
      %swap3A_503 = arith.index_cast %swap3A_502 : i32 to index
      %swap3A_504 = arith.index_cast %scan3A_121 : i32 to index
      %swap3A_505 = arith.constant 608 : index
      %swap3A_506 = tpu.vector_load %arg5[%swap3A_503, %swap3A_504, %swap3A_505] {strides = array<i32>} : memref<2x20x1000xf32, #tpu.memory_space<vmem>>, vector<16xf32>,
      tpu.vector_store %arg5[%swap3A_503, %swap3A_504, %swap3A_505], %broadcast_in_dim3A_5 {strides = array<i32>} : memref<2x20x1000xf32, #tpu.memory_space<vmem>>, vector<16xf32>,
      %swap3A_507 = arith.constant 0 : i32
      %swap3A_508 = arith.index_cast %swap3A_507 : i32 to index
      %swap3A_509 = arith.index_cast %scan3A_121 : i32 to index
      %swap3A_510 = arith.constant 608 : index
      %swap3A_511 = tpu.vector_load %arg6[%swap3A_508, %swap3A_509, %swap3A_510] {strides = array<i32>} : memref<2x20x1000xf32, #tpu.memory_space<vmem>>, vector<16xf32>,
      tpu.vector_store %arg6[%swap3A_508, %swap3A_509, %swap3A_510], %broadcast_in_dim3A_5 {strides = array<i32>} : memref<2x20x1000xf32, #tpu.memory_space<vmem>>, vector<16xf32>,
      %swap3A_512 = arith.constant 0 : i32
      %swap3A_513 = arith.index_cast %swap3A_512 : i32 to index
      %swap3A_514 = arith.index_cast %scan3A_121 : i32 to index
      %swap3A_515 = arith.constant 624 : index
      %swap3A_516 = tpu.vector_load %arg5[%swap3A_513, %swap3A_514, %swap3A_515] {strides = array<i32>} : memref<2x20x1000xf32, #tpu.memory_space<vmem>>, vector<16xf32>,
      tpu.vector_store %arg5[%swap3A_513, %swap3A_514, %swap3A_515], %broadcast_in_dim3A_5 {strides = array<i32>} : memref<2x20x1000xf32, #tpu.memory_space<vmem>>, vector<16xf32>,
      %swap3A_517 = arith.constant 0 : i32
      %swap3A_518 = arith.index_cast %swap3A_517 : i32 to index
      %swap3A_519 = arith.index_cast %scan3A_121 : i32 to index
      %swap3A_520 = arith.constant 624 : index
      %swap3A_521 = tpu.vector_load %arg6[%swap3A_518, %swap3A_519, %swap3A_520] {strides = array<i32>} : memref<2x20x1000xf32, #tpu.memory_space<vmem>>, vector<16xf32>,
      tpu.vector_store %arg6[%swap3A_518, %swap3A_519, %swap3A_520], %broadcast_in_dim3A_5 {strides = array<i32>} : memref<2x20x1000xf32, #tpu.memory_space<vmem>>, vector<16xf32>,
      %swap3A_522 = arith.constant 0 : i32
      %swap3A_523 = arith.index_cast %swap3A_522 : i32 to index
      %swap3A_524 = arith.index_cast %scan3A_121 : i32 to index
      %swap3A_525 = arith.constant 640 : index
      %swap3A_526 = tpu.vector_load %arg5[%swap3A_523, %swap3A_524, %swap3A_525] {strides = array<i32>} : memref<2x20x1000xf32, #tpu.memory_space<vmem>>, vector<16xf32>,
      tpu.vector_store %arg5[%swap3A_523, %swap3A_524, %swap3A_525], %broadcast_in_dim3A_5 {strides = array<i32>} : memref<2x20x1000xf32, #tpu.memory_space<vmem>>, vector<16xf32>,
      %swap3A_527 = arith.constant 0 : i32
      %swap3A_528 = arith.index_cast %swap3A_527 : i32 to index
      %swap3A_529 = arith.index_cast %scan3A_121 : i32 to index
      %swap3A_530 = arith.constant 640 : index
      %swap3A_531 = tpu.vector_load %arg6[%swap3A_528, %swap3A_529, %swap3A_530] {strides = array<i32>} : memref<2x20x1000xf32, #tpu.memory_space<vmem>>, vector<16xf32>,
      tpu.vector_store %arg6[%swap3A_528, %swap3A_529, %swap3A_530], %broadcast_in_dim3A_5 {strides = array<i32>} : memref<2x20x1000xf32, #tpu.memory_space<vmem>>, vector<16xf32>,
      %swap3A_532 = arith.constant 0 : i32
      %swap3A_533 = arith.index_cast %swap3A_532 : i32 to index
      %swap3A_534 = arith.index_cast %scan3A_121 : i32 to index
      %swap3A_535 = arith.constant 656 : index
      %swap3A_536 = tpu.vector_load %arg5[%swap3A_533, %swap3A_534, %swap3A_535] {strides = array<i32>} : memref<2x20x1000xf32, #tpu.memory_space<vmem>>, vector<16xf32>,
      tpu.vector_store %arg5[%swap3A_533, %swap3A_534, %swap3A_535], %broadcast_in_dim3A_5 {strides = array<i32>} : memref<2x20x1000xf32, #tpu.memory_space<vmem>>, vector<16xf32>,
      %swap3A_537 = arith.constant 0 : i32
      %swap3A_538 = arith.index_cast %swap3A_537 : i32 to index
      %swap3A_539 = arith.index_cast %scan3A_121 : i32 to index
      %swap3A_540 = arith.constant 656 : index
      %swap3A_541 = tpu.vector_load %arg6[%swap3A_538, %swap3A_539, %swap3A_540] {strides = array<i32>} : memref<2x20x1000xf32, #tpu.memory_space<vmem>>, vector<16xf32>,
      tpu.vector_store %arg6[%swap3A_538, %swap3A_539, %swap3A_540], %broadcast_in_dim3A_5 {strides = array<i32>} : memref<2x20x1000xf32, #tpu.memory_space<vmem>>, vector<16xf32>,
      %swap3A_542 = arith.constant 0 : i32
      %swap3A_543 = arith.index_cast %swap3A_542 : i32 to index
      %swap3A_544 = arith.index_cast %scan3A_121 : i32 to index
      %swap3A_545 = arith.constant 672 : index
      %swap3A_546 = tpu.vector_load %arg5[%swap3A_543, %swap3A_544, %swap3A_545] {strides = array<i32>} : memref<2x20x1000xf32, #tpu.memory_space<vmem>>, vector<16xf32>,
      tpu.vector_store %arg5[%swap3A_543, %swap3A_544, %swap3A_545], %broadcast_in_dim3A_5 {strides = array<i32>} : memref<2x20x1000xf32, #tpu.memory_space<vmem>>, vector<16xf32>,
      %swap3A_547 = arith.constant 0 : i32
      %swap3A_548 = arith.index_cast %swap3A_547 : i32 to index
      %swap3A_549 = arith.index_cast %scan3A_121 : i32 to index
      %swap3A_550 = arith.constant 672 : index
      %swap3A_551 = tpu.vector_load %arg6[%swap3A_548, %swap3A_549, %swap3A_550] {strides = array<i32>} : memref<2x20x1000xf32, #tpu.memory_space<vmem>>, vector<16xf32>,
      tpu.vector_store %arg6[%swap3A_548, %swap3A_549, %swap3A_550], %broadcast_in_dim3A_5 {strides = array<i32>} : memref<2x20x1000xf32, #tpu.memory_space<vmem>>, vector<16xf32>,
      %swap3A_552 = arith.constant 0 : i32
      %swap3A_553 = arith.index_cast %swap3A_552 : i32 to index
      %swap3A_554 = arith.index_cast %scan3A_121 : i32 to index
      %swap3A_555 = arith.constant 688 : index
      %swap3A_556 = tpu.vector_load %arg5[%swap3A_553, %swap3A_554, %swap3A_555] {strides = array<i32>} : memref<2x20x1000xf32, #tpu.memory_space<vmem>>, vector<16xf32>,
      tpu.vector_store %arg5[%swap3A_553, %swap3A_554, %swap3A_555], %broadcast_in_dim3A_5 {strides = array<i32>} : memref<2x20x1000xf32, #tpu.memory_space<vmem>>, vector<16xf32>,
      %swap3A_557 = arith.constant 0 : i32
      %swap3A_558 = arith.index_cast %swap3A_557 : i32 to index
      %swap3A_559 = arith.index_cast %scan3A_121 : i32 to index
      %swap3A_560 = arith.constant 688 : index
      %swap3A_561 = tpu.vector_load %arg6[%swap3A_558, %swap3A_559, %swap3A_560] {strides = array<i32>} : memref<2x20x1000xf32, #tpu.memory_space<vmem>>, vector<16xf32>,
      tpu.vector_store %arg6[%swap3A_558, %swap3A_559, %swap3A_560], %broadcast_in_dim3A_5 {strides = array<i32>} : memref<2x20x1000xf32, #tpu.memory_space<vmem>>, vector<16xf32>,
      %swap3A_562 = arith.constant 0 : i32
      %swap3A_563 = arith.index_cast %swap3A_562 : i32 to index
      %swap3A_564 = arith.index_cast %scan3A_121 : i32 to index
      %swap3A_565 = arith.constant 704 : index
      %swap3A_566 = tpu.vector_load %arg5[%swap3A_563, %swap3A_564, %swap3A_565] {strides = array<i32>} : memref<2x20x1000xf32, #tpu.memory_space<vmem>>, vector<16xf32>,
      tpu.vector_store %arg5[%swap3A_563, %swap3A_564, %swap3A_565], %broadcast_in_dim3A_5 {strides = array<i32>} : memref<2x20x1000xf32, #tpu.memory_space<vmem>>, vector<16xf32>,
      %swap3A_567 = arith.constant 0 : i32
      %swap3A_568 = arith.index_cast %swap3A_567 : i32 to index
      %swap3A_569 = arith.index_cast %scan3A_121 : i32 to index
      %swap3A_570 = arith.constant 704 : index
      %swap3A_571 = tpu.vector_load %arg6[%swap3A_568, %swap3A_569, %swap3A_570] {strides = array<i32>} : memref<2x20x1000xf32, #tpu.memory_space<vmem>>, vector<16xf32>,
      tpu.vector_store %arg6[%swap3A_568, %swap3A_569, %swap3A_570], %broadcast_in_dim3A_5 {strides = array<i32>} : memref<2x20x1000xf32, #tpu.memory_space<vmem>>, vector<16xf32>,
      %swap3A_572 = arith.constant 0 : i32
      %swap3A_573 = arith.index_cast %swap3A_572 : i32 to index
      %swap3A_574 = arith.index_cast %scan3A_121 : i32 to index
      %swap3A_575 = arith.constant 720 : index
      %swap3A_576 = tpu.vector_load %arg5[%swap3A_573, %swap3A_574, %swap3A_575] {strides = array<i32>} : memref<2x20x1000xf32, #tpu.memory_space<vmem>>, vector<16xf32>,
      tpu.vector_store %arg5[%swap3A_573, %swap3A_574, %swap3A_575], %broadcast_in_dim3A_5 {strides = array<i32>} : memref<2x20x1000xf32, #tpu.memory_space<vmem>>, vector<16xf32>,
      %swap3A_577 = arith.constant 0 : i32
      %swap3A_578 = arith.index_cast %swap3A_577 : i32 to index
      %swap3A_579 = arith.index_cast %scan3A_121 : i32 to index
      %swap3A_580 = arith.constant 720 : index
      %swap3A_581 = tpu.vector_load %arg6[%swap3A_578, %swap3A_579, %swap3A_580] {strides = array<i32>} : memref<2x20x1000xf32, #tpu.memory_space<vmem>>, vector<16xf32>,
      tpu.vector_store %arg6[%swap3A_578, %swap3A_579, %swap3A_580], %broadcast_in_dim3A_5 {strides = array<i32>} : memref<2x20x1000xf32, #tpu.memory_space<vmem>>, vector<16xf32>,
      %swap3A_582 = arith.constant 0 : i32
      %swap3A_583 = arith.index_cast %swap3A_582 : i32 to index
      %swap3A_584 = arith.index_cast %scan3A_121 : i32 to index
      %swap3A_585 = arith.constant 736 : index
      %swap3A_586 = tpu.vector_load %arg5[%swap3A_583, %swap3A_584, %swap3A_585] {strides = array<i32>} : memref<2x20x1000xf32, #tpu.memory_space<vmem>>, vector<16xf32>,
      tpu.vector_store %arg5[%swap3A_583, %swap3A_584, %swap3A_585], %broadcast_in_dim3A_5 {strides = array<i32>} : memref<2x20x1000xf32, #tpu.memory_space<vmem>>, vector<16xf32>,
      %swap3A_587 = arith.constant 0 : i32
      %swap3A_588 = arith.index_cast %swap3A_587 : i32 to index
      %swap3A_589 = arith.index_cast %scan3A_121 : i32 to index
      %swap3A_590 = arith.constant 736 : index
      %swap3A_591 = tpu.vector_load %arg6[%swap3A_588, %swap3A_589, %swap3A_590] {strides = array<i32>} : memref<2x20x1000xf32, #tpu.memory_space<vmem>>, vector<16xf32>,
      tpu.vector_store %arg6[%swap3A_588, %swap3A_589, %swap3A_590], %broadcast_in_dim3A_5 {strides = array<i32>} : memref<2x20x1000xf32, #tpu.memory_space<vmem>>, vector<16xf32>,
      %swap3A_592 = arith.constant 0 : i32
      %swap3A_593 = arith.index_cast %swap3A_592 : i32 to index
      %swap3A_594 = arith.index_cast %scan3A_121 : i32 to index
      %swap3A_595 = arith.constant 752 : index
      %swap3A_596 = tpu.vector_load %arg5[%swap3A_593, %swap3A_594, %swap3A_595] {strides = array<i32>} : memref<2x20x1000xf32, #tpu.memory_space<vmem>>, vector<16xf32>,
      tpu.vector_store %arg5[%swap3A_593, %swap3A_594, %swap3A_595], %broadcast_in_dim3A_5 {strides = array<i32>} : memref<2x20x1000xf32, #tpu.memory_space<vmem>>, vector<16xf32>,
      %swap3A_597 = arith.constant 0 : i32
      %swap3A_598 = arith.index_cast %swap3A_597 : i32 to index
      %swap3A_599 = arith.index_cast %scan3A_121 : i32 to index
      %swap3A_600 = arith.constant 752 : index
      %swap3A_601 = tpu.vector_load %arg6[%swap3A_598, %swap3A_599, %swap3A_600] {strides = array<i32>} : memref<2x20x1000xf32, #tpu.memory_space<vmem>>, vector<16xf32>,
      tpu.vector_store %arg6[%swap3A_598, %swap3A_599, %swap3A_600], %broadcast_in_dim3A_5 {strides = array<i32>} : memref<2x20x1000xf32, #tpu.memory_space<vmem>>, vector<16xf32>,
      %swap3A_602 = arith.constant 0 : i32
      %swap3A_603 = arith.index_cast %swap3A_602 : i32 to index
      %swap3A_604 = arith.index_cast %scan3A_121 : i32 to index
      %swap3A_605 = arith.constant 768 : index
      %swap3A_606 = tpu.vector_load %arg5[%swap3A_603, %swap3A_604, %swap3A_605] {strides = array<i32>} : memref<2x20x1000xf32, #tpu.memory_space<vmem>>, vector<16xf32>,
      tpu.vector_store %arg5[%swap3A_603, %swap3A_604, %swap3A_605], %broadcast_in_dim3A_5 {strides = array<i32>} : memref<2x20x1000xf32, #tpu.memory_space<vmem>>, vector<16xf32>,
      %swap3A_607 = arith.constant 0 : i32
      %swap3A_608 = arith.index_cast %swap3A_607 : i32 to index
      %swap3A_609 = arith.index_cast %scan3A_121 : i32 to index
      %swap3A_610 = arith.constant 768 : index
      %swap3A_611 = tpu.vector_load %arg6[%swap3A_608, %swap3A_609, %swap3A_610] {strides = array<i32>} : memref<2x20x1000xf32, #tpu.memory_space<vmem>>, vector<16xf32>,
      tpu.vector_store %arg6[%swap3A_608, %swap3A_609, %swap3A_610], %broadcast_in_dim3A_5 {strides = array<i32>} : memref<2x20x1000xf32, #tpu.memory_space<vmem>>, vector<16xf32>,
      %swap3A_612 = arith.constant 0 : i32
      %swap3A_613 = arith.index_cast %swap3A_612 : i32 to index
      %swap3A_614 = arith.index_cast %scan3A_121 : i32 to index
      %swap3A_615 = arith.constant 784 : index
      %swap3A_616 = tpu.vector_load %arg5[%swap3A_613, %swap3A_614, %swap3A_615] {strides = array<i32>} : memref<2x20x1000xf32, #tpu.memory_space<vmem>>, vector<16xf32>,
      tpu.vector_store %arg5[%swap3A_613, %swap3A_614, %swap3A_615], %broadcast_in_dim3A_5 {strides = array<i32>} : memref<2x20x1000xf32, #tpu.memory_space<vmem>>, vector<16xf32>,
      %swap3A_617 = arith.constant 0 : i32
      %swap3A_618 = arith.index_cast %swap3A_617 : i32 to index
      %swap3A_619 = arith.index_cast %scan3A_121 : i32 to index
      %swap3A_620 = arith.constant 784 : index
      %swap3A_621 = tpu.vector_load %arg6[%swap3A_618, %swap3A_619, %swap3A_620] {strides = array<i32>} : memref<2x20x1000xf32, #tpu.memory_space<vmem>>, vector<16xf32>,
      tpu.vector_store %arg6[%swap3A_618, %swap3A_619, %swap3A_620], %broadcast_in_dim3A_5 {strides = array<i32>} : memref<2x20x1000xf32, #tpu.memory_space<vmem>>, vector<16xf32>,
      %swap3A_622 = arith.constant 0 : i32
      %swap3A_623 = arith.index_cast %swap3A_622 : i32 to index
      %swap3A_624 = arith.index_cast %scan3A_121 : i32 to index
      %swap3A_625 = arith.constant 800 : index
      %swap3A_626 = tpu.vector_load %arg5[%swap3A_623, %swap3A_624, %swap3A_625] {strides = array<i32>} : memref<2x20x1000xf32, #tpu.memory_space<vmem>>, vector<16xf32>,
      tpu.vector_store %arg5[%swap3A_623, %swap3A_624, %swap3A_625], %broadcast_in_dim3A_5 {strides = array<i32>} : memref<2x20x1000xf32, #tpu.memory_space<vmem>>, vector<16xf32>,
      %swap3A_627 = arith.constant 0 : i32
      %swap3A_628 = arith.index_cast %swap3A_627 : i32 to index
      %swap3A_629 = arith.index_cast %scan3A_121 : i32 to index
      %swap3A_630 = arith.constant 800 : index
      %swap3A_631 = tpu.vector_load %arg6[%swap3A_628, %swap3A_629, %swap3A_630] {strides = array<i32>} : memref<2x20x1000xf32, #tpu.memory_space<vmem>>, vector<16xf32>,
      tpu.vector_store %arg6[%swap3A_628, %swap3A_629, %swap3A_630], %broadcast_in_dim3A_5 {strides = array<i32>} : memref<2x20x1000xf32, #tpu.memory_space<vmem>>, vector<16xf32>,
      %swap3A_632 = arith.constant 0 : i32
      %swap3A_633 = arith.index_cast %swap3A_632 : i32 to index
      %swap3A_634 = arith.index_cast %scan3A_121 : i32 to index
      %swap3A_635 = arith.constant 816 : index
      %swap3A_636 = tpu.vector_load %arg5[%swap3A_633, %swap3A_634, %swap3A_635] {strides = array<i32>} : memref<2x20x1000xf32, #tpu.memory_space<vmem>>, vector<16xf32>,
      tpu.vector_store %arg5[%swap3A_633, %swap3A_634, %swap3A_635], %broadcast_in_dim3A_5 {strides = array<i32>} : memref<2x20x1000xf32, #tpu.memory_space<vmem>>, vector<16xf32>,
      %swap3A_637 = arith.constant 0 : i32
      %swap3A_638 = arith.index_cast %swap3A_637 : i32 to index
      %swap3A_639 = arith.index_cast %scan3A_121 : i32 to index
      %swap3A_640 = arith.constant 816 : index
      %swap3A_641 = tpu.vector_load %arg6[%swap3A_638, %swap3A_639, %swap3A_640] {strides = array<i32>} : memref<2x20x1000xf32, #tpu.memory_space<vmem>>, vector<16xf32>,
      tpu.vector_store %arg6[%swap3A_638, %swap3A_639, %swap3A_640], %broadcast_in_dim3A_5 {strides = array<i32>} : memref<2x20x1000xf32, #tpu.memory_space<vmem>>, vector<16xf32>,
      %swap3A_642 = arith.constant 0 : i32
      %swap3A_643 = arith.index_cast %swap3A_642 : i32 to index
      %swap3A_644 = arith.index_cast %scan3A_121 : i32 to index
      %swap3A_645 = arith.constant 832 : index
      %swap3A_646 = tpu.vector_load %arg5[%swap3A_643, %swap3A_644, %swap3A_645] {strides = array<i32>} : memref<2x20x1000xf32, #tpu.memory_space<vmem>>, vector<16xf32>,
      tpu.vector_store %arg5[%swap3A_643, %swap3A_644, %swap3A_645], %broadcast_in_dim3A_5 {strides = array<i32>} : memref<2x20x1000xf32, #tpu.memory_space<vmem>>, vector<16xf32>,
      %swap3A_647 = arith.constant 0 : i32
      %swap3A_648 = arith.index_cast %swap3A_647 : i32 to index
      %swap3A_649 = arith.index_cast %scan3A_121 : i32 to index
      %swap3A_650 = arith.constant 832 : index
      %swap3A_651 = tpu.vector_load %arg6[%swap3A_648, %swap3A_649, %swap3A_650] {strides = array<i32>} : memref<2x20x1000xf32, #tpu.memory_space<vmem>>, vector<16xf32>,
      tpu.vector_store %arg6[%swap3A_648, %swap3A_649, %swap3A_650], %broadcast_in_dim3A_5 {strides = array<i32>} : memref<2x20x1000xf32, #tpu.memory_space<vmem>>, vector<16xf32>,
      %swap3A_652 = arith.constant 0 : i32
      %swap3A_653 = arith.index_cast %swap3A_652 : i32 to index
      %swap3A_654 = arith.index_cast %scan3A_121 : i32 to index
      %swap3A_655 = arith.constant 848 : index
      %swap3A_656 = tpu.vector_load %arg5[%swap3A_653, %swap3A_654, %swap3A_655] {strides = array<i32>} : memref<2x20x1000xf32, #tpu.memory_space<vmem>>, vector<16xf32>,
      tpu.vector_store %arg5[%swap3A_653, %swap3A_654, %swap3A_655], %broadcast_in_dim3A_5 {strides = array<i32>} : memref<2x20x1000xf32, #tpu.memory_space<vmem>>, vector<16xf32>,
      %swap3A_657 = arith.constant 0 : i32
      %swap3A_658 = arith.index_cast %swap3A_657 : i32 to index
      %swap3A_659 = arith.index_cast %scan3A_121 : i32 to index
      %swap3A_660 = arith.constant 848 : index
      %swap3A_661 = tpu.vector_load %arg6[%swap3A_658, %swap3A_659, %swap3A_660] {strides = array<i32>} : memref<2x20x1000xf32, #tpu.memory_space<vmem>>, vector<16xf32>,
      tpu.vector_store %arg6[%swap3A_658, %swap3A_659, %swap3A_660], %broadcast_in_dim3A_5 {strides = array<i32>} : memref<2x20x1000xf32, #tpu.memory_space<vmem>>, vector<16xf32>,
      %swap3A_662 = arith.constant 0 : i32
      %swap3A_663 = arith.index_cast %swap3A_662 : i32 to index
      %swap3A_664 = arith.index_cast %scan3A_121 : i32 to index
      %swap3A_665 = arith.constant 864 : index
      %swap3A_666 = tpu.vector_load %arg5[%swap3A_663, %swap3A_664, %swap3A_665] {strides = array<i32>} : memref<2x20x1000xf32, #tpu.memory_space<vmem>>, vector<16xf32>,
      tpu.vector_store %arg5[%swap3A_663, %swap3A_664, %swap3A_665], %broadcast_in_dim3A_5 {strides = array<i32>} : memref<2x20x1000xf32, #tpu.memory_space<vmem>>, vector<16xf32>,
      %swap3A_667 = arith.constant 0 : i32
      %swap3A_668 = arith.index_cast %swap3A_667 : i32 to index
      %swap3A_669 = arith.index_cast %scan3A_121 : i32 to index
      %swap3A_670 = arith.constant 864 : index
      %swap3A_671 = tpu.vector_load %arg6[%swap3A_668, %swap3A_669, %swap3A_670] {strides = array<i32>} : memref<2x20x1000xf32, #tpu.memory_space<vmem>>, vector<16xf32>,
      tpu.vector_store %arg6[%swap3A_668, %swap3A_669, %swap3A_670], %broadcast_in_dim3A_5 {strides = array<i32>} : memref<2x20x1000xf32, #tpu.memory_space<vmem>>, vector<16xf32>,
      %swap3A_672 = arith.constant 0 : i32
      %swap3A_673 = arith.index_cast %swap3A_672 : i32 to index
      %swap3A_674 = arith.index_cast %scan3A_121 : i32 to index
      %swap3A_675 = arith.constant 880 : index
      %swap3A_676 = tpu.vector_load %arg5[%swap3A_673, %swap3A_674, %swap3A_675] {strides = array<i32>} : memref<2x20x1000xf32, #tpu.memory_space<vmem>>, vector<16xf32>,
      tpu.vector_store %arg5[%swap3A_673, %swap3A_674, %swap3A_675], %broadcast_in_dim3A_5 {strides = array<i32>} : memref<2x20x1000xf32, #tpu.memory_space<vmem>>, vector<16xf32>,
      %swap3A_677 = arith.constant 0 : i32
      %swap3A_678 = arith.index_cast %swap3A_677 : i32 to index
      %swap3A_679 = arith.index_cast %scan3A_121 : i32 to index
      %swap3A_680 = arith.constant 880 : index
      %swap3A_681 = tpu.vector_load %arg6[%swap3A_678, %swap3A_679, %swap3A_680] {strides = array<i32>} : memref<2x20x1000xf32, #tpu.memory_space<vmem>>, vector<16xf32>,
      tpu.vector_store %arg6[%swap3A_678, %swap3A_679, %swap3A_680], %broadcast_in_dim3A_5 {strides = array<i32>} : memref<2x20x1000xf32, #tpu.memory_space<vmem>>, vector<16xf32>,
      %swap3A_682 = arith.constant 0 : i32
      %swap3A_683 = arith.index_cast %swap3A_682 : i32 to index
      %swap3A_684 = arith.index_cast %scan3A_121 : i32 to index
      %swap3A_685 = arith.constant 896 : index
      %swap3A_686 = tpu.vector_load %arg5[%swap3A_683, %swap3A_684, %swap3A_685] {strides = array<i32>} : memref<2x20x1000xf32, #tpu.memory_space<vmem>>, vector<16xf32>,
      tpu.vector_store %arg5[%swap3A_683, %swap3A_684, %swap3A_685], %broadcast_in_dim3A_5 {strides = array<i32>} : memref<2x20x1000xf32, #tpu.memory_space<vmem>>, vector<16xf32>,
      %swap3A_687 = arith.constant 0 : i32
      %swap3A_688 = arith.index_cast %swap3A_687 : i32 to index
      %swap3A_689 = arith.index_cast %scan3A_121 : i32 to index
      %swap3A_690 = arith.constant 896 : index
      %swap3A_691 = tpu.vector_load %arg6[%swap3A_688, %swap3A_689, %swap3A_690] {strides = array<i32>} : memref<2x20x1000xf32, #tpu.memory_space<vmem>>, vector<16xf32>,
      tpu.vector_store %arg6[%swap3A_688, %swap3A_689, %swap3A_690], %broadcast_in_dim3A_5 {strides = array<i32>} : memref<2x20x1000xf32, #tpu.memory_space<vmem>>, vector<16xf32>,
      %swap3A_692 = arith.constant 0 : i32
      %swap3A_693 = arith.index_cast %swap3A_692 : i32 to index
      %swap3A_694 = arith.index_cast %scan3A_121 : i32 to index
      %swap3A_695 = arith.constant 912 : index
      %swap3A_696 = tpu.vector_load %arg5[%swap3A_693, %swap3A_694, %swap3A_695] {strides = array<i32>} : memref<2x20x1000xf32, #tpu.memory_space<vmem>>, vector<16xf32>,
      tpu.vector_store %arg5[%swap3A_693, %swap3A_694, %swap3A_695], %broadcast_in_dim3A_5 {strides = array<i32>} : memref<2x20x1000xf32, #tpu.memory_space<vmem>>, vector<16xf32>,
      %swap3A_697 = arith.constant 0 : i32
      %swap3A_698 = arith.index_cast %swap3A_697 : i32 to index
      %swap3A_699 = arith.index_cast %scan3A_121 : i32 to index
      %swap3A_700 = arith.constant 912 : index
      %swap3A_701 = tpu.vector_load %arg6[%swap3A_698, %swap3A_699, %swap3A_700] {strides = array<i32>} : memref<2x20x1000xf32, #tpu.memory_space<vmem>>, vector<16xf32>,
      tpu.vector_store %arg6[%swap3A_698, %swap3A_699, %swap3A_700], %broadcast_in_dim3A_5 {strides = array<i32>} : memref<2x20x1000xf32, #tpu.memory_space<vmem>>, vector<16xf32>,
      %swap3A_702 = arith.constant 0 : i32
      %swap3A_703 = arith.index_cast %swap3A_702 : i32 to index
      %swap3A_704 = arith.index_cast %scan3A_121 : i32 to index
      %swap3A_705 = arith.constant 928 : index
      %swap3A_706 = tpu.vector_load %arg5[%swap3A_703, %swap3A_704, %swap3A_705] {strides = array<i32>} : memref<2x20x1000xf32, #tpu.memory_space<vmem>>, vector<16xf32>,
      tpu.vector_store %arg5[%swap3A_703, %swap3A_704, %swap3A_705], %broadcast_in_dim3A_5 {strides = array<i32>} : memref<2x20x1000xf32, #tpu.memory_space<vmem>>, vector<16xf32>,
      %swap3A_707 = arith.constant 0 : i32
      %swap3A_708 = arith.index_cast %swap3A_707 : i32 to index
      %swap3A_709 = arith.index_cast %scan3A_121 : i32 to index
      %swap3A_710 = arith.constant 928 : index
      %swap3A_711 = tpu.vector_load %arg6[%swap3A_708, %swap3A_709, %swap3A_710] {strides = array<i32>} : memref<2x20x1000xf32, #tpu.memory_space<vmem>>, vector<16xf32>,
      tpu.vector_store %arg6[%swap3A_708, %swap3A_709, %swap3A_710], %broadcast_in_dim3A_5 {strides = array<i32>} : memref<2x20x1000xf32, #tpu.memory_space<vmem>>, vector<16xf32>,
      %swap3A_712 = arith.constant 0 : i32
      %swap3A_713 = arith.index_cast %swap3A_712 : i32 to index
      %swap3A_714 = arith.index_cast %scan3A_121 : i32 to index
      %swap3A_715 = arith.constant 944 : index
      %swap3A_716 = tpu.vector_load %arg5[%swap3A_713, %swap3A_714, %swap3A_715] {strides = array<i32>} : memref<2x20x1000xf32, #tpu.memory_space<vmem>>, vector<16xf32>,
      tpu.vector_store %arg5[%swap3A_713, %swap3A_714, %swap3A_715], %broadcast_in_dim3A_5 {strides = array<i32>} : memref<2x20x1000xf32, #tpu.memory_space<vmem>>, vector<16xf32>,
      %swap3A_717 = arith.constant 0 : i32
      %swap3A_718 = arith.index_cast %swap3A_717 : i32 to index
      %swap3A_719 = arith.index_cast %scan3A_121 : i32 to index
      %swap3A_720 = arith.constant 944 : index
      %swap3A_721 = tpu.vector_load %arg6[%swap3A_718, %swap3A_719, %swap3A_720] {strides = array<i32>} : memref<2x20x1000xf32, #tpu.memory_space<vmem>>, vector<16xf32>,
      tpu.vector_store %arg6[%swap3A_718, %swap3A_719, %swap3A_720], %broadcast_in_dim3A_5 {strides = array<i32>} : memref<2x20x1000xf32, #tpu.memory_space<vmem>>, vector<16xf32>,
      %swap3A_722 = arith.constant 0 : i32
      %swap3A_723 = arith.index_cast %swap3A_722 : i32 to index
      %swap3A_724 = arith.index_cast %scan3A_121 : i32 to index
      %swap3A_725 = arith.constant 960 : index
      %swap3A_726 = tpu.vector_load %arg5[%swap3A_723, %swap3A_724, %swap3A_725] {strides = array<i32>} : memref<2x20x1000xf32, #tpu.memory_space<vmem>>, vector<16xf32>,
      tpu.vector_store %arg5[%swap3A_723, %swap3A_724, %swap3A_725], %broadcast_in_dim3A_5 {strides = array<i32>} : memref<2x20x1000xf32, #tpu.memory_space<vmem>>, vector<16xf32>,
      %swap3A_727 = arith.constant 0 : i32
      %swap3A_728 = arith.index_cast %swap3A_727 : i32 to index
      %swap3A_729 = arith.index_cast %scan3A_121 : i32 to index
      %swap3A_730 = arith.constant 960 : index
      %swap3A_731 = tpu.vector_load %arg6[%swap3A_728, %swap3A_729, %swap3A_730] {strides = array<i32>} : memref<2x20x1000xf32, #tpu.memory_space<vmem>>, vector<16xf32>,
      tpu.vector_store %arg6[%swap3A_728, %swap3A_729, %swap3A_730], %broadcast_in_dim3A_5 {strides = array<i32>} : memref<2x20x1000xf32, #tpu.memory_space<vmem>>, vector<16xf32>,
      %swap3A_732 = arith.constant 0 : i32
      %swap3A_733 = arith.index_cast %swap3A_732 : i32 to index
      %swap3A_734 = arith.index_cast %scan3A_121 : i32 to index
      %swap3A_735 = arith.constant 976 : index
      %swap3A_736 = tpu.vector_load %arg5[%swap3A_733, %swap3A_734, %swap3A_735] {strides = array<i32>} : memref<2x20x1000xf32, #tpu.memory_space<vmem>>, vector<16xf32>,
      tpu.vector_store %arg5[%swap3A_733, %swap3A_734, %swap3A_735], %broadcast_in_dim3A_5 {strides = array<i32>} : memref<2x20x1000xf32, #tpu.memory_space<vmem>>, vector<16xf32>,
      %swap3A_737 = arith.constant 0 : i32
      %swap3A_738 = arith.index_cast %swap3A_737 : i32 to index
      %swap3A_739 = arith.index_cast %scan3A_121 : i32 to index
      %swap3A_740 = arith.constant 976 : index
      %swap3A_741 = tpu.vector_load %arg6[%swap3A_738, %swap3A_739, %swap3A_740] {strides = array<i32>} : memref<2x20x1000xf32, #tpu.memory_space<vmem>>, vector<16xf32>,
      tpu.vector_store %arg6[%swap3A_738, %swap3A_739, %swap3A_740], %broadcast_in_dim3A_5 {strides = array<i32>} : memref<2x20x1000xf32, #tpu.memory_space<vmem>>, vector<16xf32>,
      %swap3A_742 = arith.constant 0 : i32
      %swap3A_743 = arith.index_cast %swap3A_742 : i32 to index
      %swap3A_744 = arith.index_cast %scan3A_121 : i32 to index
      %swap3A_745 = arith.constant 984 : index
      %swap3A_746 = tpu.vector_load %arg5[%swap3A_743, %swap3A_744, %swap3A_745] {strides = array<i32>} : memref<2x20x1000xf32, #tpu.memory_space<vmem>>, vector<16xf32>,
      tpu.vector_store %arg5[%swap3A_743, %swap3A_744, %swap3A_745], %broadcast_in_dim3A_5 {strides = array<i32>} : memref<2x20x1000xf32, #tpu.memory_space<vmem>>, vector<16xf32>,
      %swap3A_747 = arith.constant 0 : i32
      %swap3A_748 = arith.index_cast %swap3A_747 : i32 to index
      %swap3A_749 = arith.index_cast %scan3A_121 : i32 to index
      %swap3A_750 = arith.constant 984 : index
      %swap3A_751 = tpu.vector_load %arg6[%swap3A_748, %swap3A_749, %swap3A_750] {strides = array<i32>} : memref<2x20x1000xf32, #tpu.memory_space<vmem>>, vector<16xf32>,
      tpu.vector_store %arg6[%swap3A_748, %swap3A_749, %swap3A_750], %broadcast_in_dim3A_5 {strides = array<i32>} : memref<2x20x1000xf32, #tpu.memory_space<vmem>>, vector<16xf32>,
      %swap3A_752 = arith.constant 1 : i32
      %swap3A_753 = arith.index_cast %swap3A_752 : i32 to index
      %swap3A_754 = arith.index_cast %scan3A_121 : i32 to index
      %swap3A_755 = arith.constant 0 : index
      %swap3A_756 = tpu.vector_load %arg5[%swap3A_753, %swap3A_754, %swap3A_755] {strides = array<i32>} : memref<2x20x1000xf32, #tpu.memory_space<vmem>>, vector<16xf32>,
      tpu.vector_store %arg5[%swap3A_753, %swap3A_754, %swap3A_755], %broadcast_in_dim3A_5 {strides = array<i32>} : memref<2x20x1000xf32, #tpu.memory_space<vmem>>, vector<16xf32>,
      %swap3A_757 = arith.constant 1 : i32
      %swap3A_758 = arith.index_cast %swap3A_757 : i32 to index
      %swap3A_759 = arith.index_cast %scan3A_121 : i32 to index
      %swap3A_760 = arith.constant 0 : index
      %swap3A_761 = tpu.vector_load %arg6[%swap3A_758, %swap3A_759, %swap3A_760] {strides = array<i32>} : memref<2x20x1000xf32, #tpu.memory_space<vmem>>, vector<16xf32>,
      tpu.vector_store %arg6[%swap3A_758, %swap3A_759, %swap3A_760], %broadcast_in_dim3A_5 {strides = array<i32>} : memref<2x20x1000xf32, #tpu.memory_space<vmem>>, vector<16xf32>,
      %swap3A_762 = arith.constant 1 : i32
      %swap3A_763 = arith.index_cast %swap3A_762 : i32 to index
      %swap3A_764 = arith.index_cast %scan3A_121 : i32 to index
      %swap3A_765 = arith.constant 16 : index
      %swap3A_766 = tpu.vector_load %arg5[%swap3A_763, %swap3A_764, %swap3A_765] {strides = array<i32>} : memref<2x20x1000xf32, #tpu.memory_space<vmem>>, vector<16xf32>,
      tpu.vector_store %arg5[%swap3A_763, %swap3A_764, %swap3A_765], %broadcast_in_dim3A_5 {strides = array<i32>} : memref<2x20x1000xf32, #tpu.memory_space<vmem>>, vector<16xf32>,
      %swap3A_767 = arith.constant 1 : i32
      %swap3A_768 = arith.index_cast %swap3A_767 : i32 to index
      %swap3A_769 = arith.index_cast %scan3A_121 : i32 to index
      %swap3A_770 = arith.constant 16 : index
      %swap3A_771 = tpu.vector_load %arg6[%swap3A_768, %swap3A_769, %swap3A_770] {strides = array<i32>} : memref<2x20x1000xf32, #tpu.memory_space<vmem>>, vector<16xf32>,
      tpu.vector_store %arg6[%swap3A_768, %swap3A_769, %swap3A_770], %broadcast_in_dim3A_5 {strides = array<i32>} : memref<2x20x1000xf32, #tpu.memory_space<vmem>>, vector<16xf32>,
      %swap3A_772 = arith.constant 1 : i32
      %swap3A_773 = arith.index_cast %swap3A_772 : i32 to index
      %swap3A_774 = arith.index_cast %scan3A_121 : i32 to index
      %swap3A_775 = arith.constant 32 : index
      %swap3A_776 = tpu.vector_load %arg5[%swap3A_773, %swap3A_774, %swap3A_775] {strides = array<i32>} : memref<2x20x1000xf32, #tpu.memory_space<vmem>>, vector<16xf32>,
      tpu.vector_store %arg5[%swap3A_773, %swap3A_774, %swap3A_775], %broadcast_in_dim3A_5 {strides = array<i32>} : memref<2x20x1000xf32, #tpu.memory_space<vmem>>, vector<16xf32>,
      %swap3A_777 = arith.constant 1 : i32
      %swap3A_778 = arith.index_cast %swap3A_777 : i32 to index
      %swap3A_779 = arith.index_cast %scan3A_121 : i32 to index
      %swap3A_780 = arith.constant 32 : index
      %swap3A_781 = tpu.vector_load %arg6[%swap3A_778, %swap3A_779, %swap3A_780] {strides = array<i32>} : memref<2x20x1000xf32, #tpu.memory_space<vmem>>, vector<16xf32>,
      tpu.vector_store %arg6[%swap3A_778, %swap3A_779, %swap3A_780], %broadcast_in_dim3A_5 {strides = array<i32>} : memref<2x20x1000xf32, #tpu.memory_space<vmem>>, vector<16xf32>,
      %swap3A_782 = arith.constant 1 : i32
      %swap3A_783 = arith.index_cast %swap3A_782 : i32 to index
      %swap3A_784 = arith.index_cast %scan3A_121 : i32 to index
      %swap3A_785 = arith.constant 48 : index
      %swap3A_786 = tpu.vector_load %arg5[%swap3A_783, %swap3A_784, %swap3A_785] {strides = array<i32>} : memref<2x20x1000xf32, #tpu.memory_space<vmem>>, vector<16xf32>,
      tpu.vector_store %arg5[%swap3A_783, %swap3A_784, %swap3A_785], %broadcast_in_dim3A_5 {strides = array<i32>} : memref<2x20x1000xf32, #tpu.memory_space<vmem>>, vector<16xf32>,
      %swap3A_787 = arith.constant 1 : i32
      %swap3A_788 = arith.index_cast %swap3A_787 : i32 to index
      %swap3A_789 = arith.index_cast %scan3A_121 : i32 to index
      %swap3A_790 = arith.constant 48 : index
      %swap3A_791 = tpu.vector_load %arg6[%swap3A_788, %swap3A_789, %swap3A_790] {strides = array<i32>} : memref<2x20x1000xf32, #tpu.memory_space<vmem>>, vector<16xf32>,
      tpu.vector_store %arg6[%swap3A_788, %swap3A_789, %swap3A_790], %broadcast_in_dim3A_5 {strides = array<i32>} : memref<2x20x1000xf32, #tpu.memory_space<vmem>>, vector<16xf32>,
      %swap3A_792 = arith.constant 1 : i32
      %swap3A_793 = arith.index_cast %swap3A_792 : i32 to index
      %swap3A_794 = arith.index_cast %scan3A_121 : i32 to index
      %swap3A_795 = arith.constant 64 : index
      %swap3A_796 = tpu.vector_load %arg5[%swap3A_793, %swap3A_794, %swap3A_795] {strides = array<i32>} : memref<2x20x1000xf32, #tpu.memory_space<vmem>>, vector<16xf32>,
      tpu.vector_store %arg5[%swap3A_793, %swap3A_794, %swap3A_795], %broadcast_in_dim3A_5 {strides = array<i32>} : memref<2x20x1000xf32, #tpu.memory_space<vmem>>, vector<16xf32>,
      %swap3A_797 = arith.constant 1 : i32
      %swap3A_798 = arith.index_cast %swap3A_797 : i32 to index
      %swap3A_799 = arith.index_cast %scan3A_121 : i32 to index
      %swap3A_800 = arith.constant 64 : index
      %swap3A_801 = tpu.vector_load %arg6[%swap3A_798, %swap3A_799, %swap3A_800] {strides = array<i32>} : memref<2x20x1000xf32, #tpu.memory_space<vmem>>, vector<16xf32>,
      tpu.vector_store %arg6[%swap3A_798, %swap3A_799, %swap3A_800], %broadcast_in_dim3A_5 {strides = array<i32>} : memref<2x20x1000xf32, #tpu.memory_space<vmem>>, vector<16xf32>,
      %swap3A_802 = arith.constant 1 : i32
      %swap3A_803 = arith.index_cast %swap3A_802 : i32 to index
      %swap3A_804 = arith.index_cast %scan3A_121 : i32 to index
      %swap3A_805 = arith.constant 80 : index
      %swap3A_806 = tpu.vector_load %arg5[%swap3A_803, %swap3A_804, %swap3A_805] {strides = array<i32>} : memref<2x20x1000xf32, #tpu.memory_space<vmem>>, vector<16xf32>,
      tpu.vector_store %arg5[%swap3A_803, %swap3A_804, %swap3A_805], %broadcast_in_dim3A_5 {strides = array<i32>} : memref<2x20x1000xf32, #tpu.memory_space<vmem>>, vector<16xf32>,
      %swap3A_807 = arith.constant 1 : i32
      %swap3A_808 = arith.index_cast %swap3A_807 : i32 to index
      %swap3A_809 = arith.index_cast %scan3A_121 : i32 to index
      %swap3A_810 = arith.constant 80 : index
      %swap3A_811 = tpu.vector_load %arg6[%swap3A_808, %swap3A_809, %swap3A_810] {strides = array<i32>} : memref<2x20x1000xf32, #tpu.memory_space<vmem>>, vector<16xf32>,
      tpu.vector_store %arg6[%swap3A_808, %swap3A_809, %swap3A_810], %broadcast_in_dim3A_5 {strides = array<i32>} : memref<2x20x1000xf32, #tpu.memory_space<vmem>>, vector<16xf32>,
      %swap3A_812 = arith.constant 1 : i32
      %swap3A_813 = arith.index_cast %swap3A_812 : i32 to index
      %swap3A_814 = arith.index_cast %scan3A_121 : i32 to index
      %swap3A_815 = arith.constant 96 : index
      %swap3A_816 = tpu.vector_load %arg5[%swap3A_813, %swap3A_814, %swap3A_815] {strides = array<i32>} : memref<2x20x1000xf32, #tpu.memory_space<vmem>>, vector<16xf32>,
      tpu.vector_store %arg5[%swap3A_813, %swap3A_814, %swap3A_815], %broadcast_in_dim3A_5 {strides = array<i32>} : memref<2x20x1000xf32, #tpu.memory_space<vmem>>, vector<16xf32>,
      %swap3A_817 = arith.constant 1 : i32
      %swap3A_818 = arith.index_cast %swap3A_817 : i32 to index
      %swap3A_819 = arith.index_cast %scan3A_121 : i32 to index
      %swap3A_820 = arith.constant 96 : index
      %swap3A_821 = tpu.vector_load %arg6[%swap3A_818, %swap3A_819, %swap3A_820] {strides = array<i32>} : memref<2x20x1000xf32, #tpu.memory_space<vmem>>, vector<16xf32>,
      tpu.vector_store %arg6[%swap3A_818, %swap3A_819, %swap3A_820], %broadcast_in_dim3A_5 {strides = array<i32>} : memref<2x20x1000xf32, #tpu.memory_space<vmem>>, vector<16xf32>,
      %swap3A_822 = arith.constant 1 : i32
      %swap3A_823 = arith.index_cast %swap3A_822 : i32 to index
      %swap3A_824 = arith.index_cast %scan3A_121 : i32 to index
      %swap3A_825 = arith.constant 112 : index
      %swap3A_826 = tpu.vector_load %arg5[%swap3A_823, %swap3A_824, %swap3A_825] {strides = array<i32>} : memref<2x20x1000xf32, #tpu.memory_space<vmem>>, vector<16xf32>,
      tpu.vector_store %arg5[%swap3A_823, %swap3A_824, %swap3A_825], %broadcast_in_dim3A_5 {strides = array<i32>} : memref<2x20x1000xf32, #tpu.memory_space<vmem>>, vector<16xf32>,
      %swap3A_827 = arith.constant 1 : i32
      %swap3A_828 = arith.index_cast %swap3A_827 : i32 to index
      %swap3A_829 = arith.index_cast %scan3A_121 : i32 to index
      %swap3A_830 = arith.constant 112 : index
      %swap3A_831 = tpu.vector_load %arg6[%swap3A_828, %swap3A_829, %swap3A_830] {strides = array<i32>} : memref<2x20x1000xf32, #tpu.memory_space<vmem>>, vector<16xf32>,
      tpu.vector_store %arg6[%swap3A_828, %swap3A_829, %swap3A_830], %broadcast_in_dim3A_5 {strides = array<i32>} : memref<2x20x1000xf32, #tpu.memory_space<vmem>>, vector<16xf32>,
      %swap3A_832 = arith.constant 1 : i32
      %swap3A_833 = arith.index_cast %swap3A_832 : i32 to index
      %swap3A_834 = arith.index_cast %scan3A_121 : i32 to index
      %swap3A_835 = arith.constant 128 : index
      %swap3A_836 = tpu.vector_load %arg5[%swap3A_833, %swap3A_834, %swap3A_835] {strides = array<i32>} : memref<2x20x1000xf32, #tpu.memory_space<vmem>>, vector<16xf32>,
      tpu.vector_store %arg5[%swap3A_833, %swap3A_834, %swap3A_835], %broadcast_in_dim3A_5 {strides = array<i32>} : memref<2x20x1000xf32, #tpu.memory_space<vmem>>, vector<16xf32>,
      %swap3A_837 = arith.constant 1 : i32
      %swap3A_838 = arith.index_cast %swap3A_837 : i32 to index
      %swap3A_839 = arith.index_cast %scan3A_121 : i32 to index
      %swap3A_840 = arith.constant 128 : index
      %swap3A_841 = tpu.vector_load %arg6[%swap3A_838, %swap3A_839, %swap3A_840] {strides = array<i32>} : memref<2x20x1000xf32, #tpu.memory_space<vmem>>, vector<16xf32>,
      tpu.vector_store %arg6[%swap3A_838, %swap3A_839, %swap3A_840], %broadcast_in_dim3A_5 {strides = array<i32>} : memref<2x20x1000xf32, #tpu.memory_space<vmem>>, vector<16xf32>,
      %swap3A_842 = arith.constant 1 : i32
      %swap3A_843 = arith.index_cast %swap3A_842 : i32 to index
      %swap3A_844 = arith.index_cast %scan3A_121 : i32 to index
      %swap3A_845 = arith.constant 144 : index
      %swap3A_846 = tpu.vector_load %arg5[%swap3A_843, %swap3A_844, %swap3A_845] {strides = array<i32>} : memref<2x20x1000xf32, #tpu.memory_space<vmem>>, vector<16xf32>,
      tpu.vector_store %arg5[%swap3A_843, %swap3A_844, %swap3A_845], %broadcast_in_dim3A_5 {strides = array<i32>} : memref<2x20x1000xf32, #tpu.memory_space<vmem>>, vector<16xf32>,
      %swap3A_847 = arith.constant 1 : i32
      %swap3A_848 = arith.index_cast %swap3A_847 : i32 to index
      %swap3A_849 = arith.index_cast %scan3A_121 : i32 to index
      %swap3A_850 = arith.constant 144 : index
      %swap3A_851 = tpu.vector_load %arg6[%swap3A_848, %swap3A_849, %swap3A_850] {strides = array<i32>} : memref<2x20x1000xf32, #tpu.memory_space<vmem>>, vector<16xf32>,
      tpu.vector_store %arg6[%swap3A_848, %swap3A_849, %swap3A_850], %broadcast_in_dim3A_5 {strides = array<i32>} : memref<2x20x1000xf32, #tpu.memory_space<vmem>>, vector<16xf32>,
      %swap3A_852 = arith.constant 1 : i32
      %swap3A_853 = arith.index_cast %swap3A_852 : i32 to index
      %swap3A_854 = arith.index_cast %scan3A_121 : i32 to index
      %swap3A_855 = arith.constant 160 : index
      %swap3A_856 = tpu.vector_load %arg5[%swap3A_853, %swap3A_854, %swap3A_855] {strides = array<i32>} : memref<2x20x1000xf32, #tpu.memory_space<vmem>>, vector<16xf32>,
      tpu.vector_store %arg5[%swap3A_853, %swap3A_854, %swap3A_855], %broadcast_in_dim3A_5 {strides = array<i32>} : memref<2x20x1000xf32, #tpu.memory_space<vmem>>, vector<16xf32>,
      %swap3A_857 = arith.constant 1 : i32
      %swap3A_858 = arith.index_cast %swap3A_857 : i32 to index
      %swap3A_859 = arith.index_cast %scan3A_121 : i32 to index
      %swap3A_860 = arith.constant 160 : index
      %swap3A_861 = tpu.vector_load %arg6[%swap3A_858, %swap3A_859, %swap3A_860] {strides = array<i32>} : memref<2x20x1000xf32, #tpu.memory_space<vmem>>, vector<16xf32>,
      tpu.vector_store %arg6[%swap3A_858, %swap3A_859, %swap3A_860], %broadcast_in_dim3A_5 {strides = array<i32>} : memref<2x20x1000xf32, #tpu.memory_space<vmem>>, vector<16xf32>,
      %swap3A_862 = arith.constant 1 : i32
      %swap3A_863 = arith.index_cast %swap3A_862 : i32 to index
      %swap3A_864 = arith.index_cast %scan3A_121 : i32 to index
      %swap3A_865 = arith.constant 176 : index
      %swap3A_866 = tpu.vector_load %arg5[%swap3A_863, %swap3A_864, %swap3A_865] {strides = array<i32>} : memref<2x20x1000xf32, #tpu.memory_space<vmem>>, vector<16xf32>,
      tpu.vector_store %arg5[%swap3A_863, %swap3A_864, %swap3A_865], %broadcast_in_dim3A_5 {strides = array<i32>} : memref<2x20x1000xf32, #tpu.memory_space<vmem>>, vector<16xf32>,
      %swap3A_867 = arith.constant 1 : i32
      %swap3A_868 = arith.index_cast %swap3A_867 : i32 to index
      %swap3A_869 = arith.index_cast %scan3A_121 : i32 to index
      %swap3A_870 = arith.constant 176 : index
      %swap3A_871 = tpu.vector_load %arg6[%swap3A_868, %swap3A_869, %swap3A_870] {strides = array<i32>} : memref<2x20x1000xf32, #tpu.memory_space<vmem>>, vector<16xf32>,
      tpu.vector_store %arg6[%swap3A_868, %swap3A_869, %swap3A_870], %broadcast_in_dim3A_5 {strides = array<i32>} : memref<2x20x1000xf32, #tpu.memory_space<vmem>>, vector<16xf32>,
      %swap3A_872 = arith.constant 1 : i32
      %swap3A_873 = arith.index_cast %swap3A_872 : i32 to index
      %swap3A_874 = arith.index_cast %scan3A_121 : i32 to index
      %swap3A_875 = arith.constant 192 : index
      %swap3A_876 = tpu.vector_load %arg5[%swap3A_873, %swap3A_874, %swap3A_875] {strides = array<i32>} : memref<2x20x1000xf32, #tpu.memory_space<vmem>>, vector<16xf32>,
      tpu.vector_store %arg5[%swap3A_873, %swap3A_874, %swap3A_875], %broadcast_in_dim3A_5 {strides = array<i32>} : memref<2x20x1000xf32, #tpu.memory_space<vmem>>, vector<16xf32>,
      %swap3A_877 = arith.constant 1 : i32
      %swap3A_878 = arith.index_cast %swap3A_877 : i32 to index
      %swap3A_879 = arith.index_cast %scan3A_121 : i32 to index
      %swap3A_880 = arith.constant 192 : index
      %swap3A_881 = tpu.vector_load %arg6[%swap3A_878, %swap3A_879, %swap3A_880] {strides = array<i32>} : memref<2x20x1000xf32, #tpu.memory_space<vmem>>, vector<16xf32>,
      tpu.vector_store %arg6[%swap3A_878, %swap3A_879, %swap3A_880], %broadcast_in_dim3A_5 {strides = array<i32>} : memref<2x20x1000xf32, #tpu.memory_space<vmem>>, vector<16xf32>,
      %swap3A_882 = arith.constant 1 : i32
      %swap3A_883 = arith.index_cast %swap3A_882 : i32 to index
      %swap3A_884 = arith.index_cast %scan3A_121 : i32 to index
      %swap3A_885 = arith.constant 208 : index
      %swap3A_886 = tpu.vector_load %arg5[%swap3A_883, %swap3A_884, %swap3A_885] {strides = array<i32>} : memref<2x20x1000xf32, #tpu.memory_space<vmem>>, vector<16xf32>,
      tpu.vector_store %arg5[%swap3A_883, %swap3A_884, %swap3A_885], %broadcast_in_dim3A_5 {strides = array<i32>} : memref<2x20x1000xf32, #tpu.memory_space<vmem>>, vector<16xf32>,
      %swap3A_887 = arith.constant 1 : i32
      %swap3A_888 = arith.index_cast %swap3A_887 : i32 to index
      %swap3A_889 = arith.index_cast %scan3A_121 : i32 to index
      %swap3A_890 = arith.constant 208 : index
      %swap3A_891 = tpu.vector_load %arg6[%swap3A_888, %swap3A_889, %swap3A_890] {strides = array<i32>} : memref<2x20x1000xf32, #tpu.memory_space<vmem>>, vector<16xf32>,
      tpu.vector_store %arg6[%swap3A_888, %swap3A_889, %swap3A_890], %broadcast_in_dim3A_5 {strides = array<i32>} : memref<2x20x1000xf32, #tpu.memory_space<vmem>>, vector<16xf32>,
      %swap3A_892 = arith.constant 1 : i32
      %swap3A_893 = arith.index_cast %swap3A_892 : i32 to index
      %swap3A_894 = arith.index_cast %scan3A_121 : i32 to index
      %swap3A_895 = arith.constant 224 : index
      %swap3A_896 = tpu.vector_load %arg5[%swap3A_893, %swap3A_894, %swap3A_895] {strides = array<i32>} : memref<2x20x1000xf32, #tpu.memory_space<vmem>>, vector<16xf32>,
      tpu.vector_store %arg5[%swap3A_893, %swap3A_894, %swap3A_895], %broadcast_in_dim3A_5 {strides = array<i32>} : memref<2x20x1000xf32, #tpu.memory_space<vmem>>, vector<16xf32>,
      %swap3A_897 = arith.constant 1 : i32
      %swap3A_898 = arith.index_cast %swap3A_897 : i32 to index
      %swap3A_899 = arith.index_cast %scan3A_121 : i32 to index
      %swap3A_900 = arith.constant 224 : index
      %swap3A_901 = tpu.vector_load %arg6[%swap3A_898, %swap3A_899, %swap3A_900] {strides = array<i32>} : memref<2x20x1000xf32, #tpu.memory_space<vmem>>, vector<16xf32>,
      tpu.vector_store %arg6[%swap3A_898, %swap3A_899, %swap3A_900], %broadcast_in_dim3A_5 {strides = array<i32>} : memref<2x20x1000xf32, #tpu.memory_space<vmem>>, vector<16xf32>,
      %swap3A_902 = arith.constant 1 : i32
      %swap3A_903 = arith.index_cast %swap3A_902 : i32 to index
      %swap3A_904 = arith.index_cast %scan3A_121 : i32 to index
      %swap3A_905 = arith.constant 240 : index
      %swap3A_906 = tpu.vector_load %arg5[%swap3A_903, %swap3A_904, %swap3A_905] {strides = array<i32>} : memref<2x20x1000xf32, #tpu.memory_space<vmem>>, vector<16xf32>,
      tpu.vector_store %arg5[%swap3A_903, %swap3A_904, %swap3A_905], %broadcast_in_dim3A_5 {strides = array<i32>} : memref<2x20x1000xf32, #tpu.memory_space<vmem>>, vector<16xf32>,
      %swap3A_907 = arith.constant 1 : i32
      %swap3A_908 = arith.index_cast %swap3A_907 : i32 to index
      %swap3A_909 = arith.index_cast %scan3A_121 : i32 to index
      %swap3A_910 = arith.constant 240 : index
      %swap3A_911 = tpu.vector_load %arg6[%swap3A_908, %swap3A_909, %swap3A_910] {strides = array<i32>} : memref<2x20x1000xf32, #tpu.memory_space<vmem>>, vector<16xf32>,
      tpu.vector_store %arg6[%swap3A_908, %swap3A_909, %swap3A_910], %broadcast_in_dim3A_5 {strides = array<i32>} : memref<2x20x1000xf32, #tpu.memory_space<vmem>>, vector<16xf32>,
      %swap3A_912 = arith.constant 1 : i32
      %swap3A_913 = arith.index_cast %swap3A_912 : i32 to index
      %swap3A_914 = arith.index_cast %scan3A_121 : i32 to index
      %swap3A_915 = arith.constant 256 : index
      %swap3A_916 = tpu.vector_load %arg5[%swap3A_913, %swap3A_914, %swap3A_915] {strides = array<i32>} : memref<2x20x1000xf32, #tpu.memory_space<vmem>>, vector<16xf32>,
      tpu.vector_store %arg5[%swap3A_913, %swap3A_914, %swap3A_915], %broadcast_in_dim3A_5 {strides = array<i32>} : memref<2x20x1000xf32, #tpu.memory_space<vmem>>, vector<16xf32>,
      %swap3A_917 = arith.constant 1 : i32
      %swap3A_918 = arith.index_cast %swap3A_917 : i32 to index
      %swap3A_919 = arith.index_cast %scan3A_121 : i32 to index
      %swap3A_920 = arith.constant 256 : index
      %swap3A_921 = tpu.vector_load %arg6[%swap3A_918, %swap3A_919, %swap3A_920] {strides = array<i32>} : memref<2x20x1000xf32, #tpu.memory_space<vmem>>, vector<16xf32>,
      tpu.vector_store %arg6[%swap3A_918, %swap3A_919, %swap3A_920], %broadcast_in_dim3A_5 {strides = array<i32>} : memref<2x20x1000xf32, #tpu.memory_space<vmem>>, vector<16xf32>,
      %swap3A_922 = arith.constant 1 : i32
      %swap3A_923 = arith.index_cast %swap3A_922 : i32 to index
      %swap3A_924 = arith.index_cast %scan3A_121 : i32 to index
      %swap3A_925 = arith.constant 272 : index
      %swap3A_926 = tpu.vector_load %arg5[%swap3A_923, %swap3A_924, %swap3A_925] {strides = array<i32>} : memref<2x20x1000xf32, #tpu.memory_space<vmem>>, vector<16xf32>,
      tpu.vector_store %arg5[%swap3A_923, %swap3A_924, %swap3A_925], %broadcast_in_dim3A_5 {strides = array<i32>} : memref<2x20x1000xf32, #tpu.memory_space<vmem>>, vector<16xf32>,
      %swap3A_927 = arith.constant 1 : i32
      %swap3A_928 = arith.index_cast %swap3A_927 : i32 to index
      %swap3A_929 = arith.index_cast %scan3A_121 : i32 to index
      %swap3A_930 = arith.constant 272 : index
      %swap3A_931 = tpu.vector_load %arg6[%swap3A_928, %swap3A_929, %swap3A_930] {strides = array<i32>} : memref<2x20x1000xf32, #tpu.memory_space<vmem>>, vector<16xf32>,
      tpu.vector_store %arg6[%swap3A_928, %swap3A_929, %swap3A_930], %broadcast_in_dim3A_5 {strides = array<i32>} : memref<2x20x1000xf32, #tpu.memory_space<vmem>>, vector<16xf32>,
      %swap3A_932 = arith.constant 1 : i32
      %swap3A_933 = arith.index_cast %swap3A_932 : i32 to index
      %swap3A_934 = arith.index_cast %scan3A_121 : i32 to index
      %swap3A_935 = arith.constant 288 : index
      %swap3A_936 = tpu.vector_load %arg5[%swap3A_933, %swap3A_934, %swap3A_935] {strides = array<i32>} : memref<2x20x1000xf32, #tpu.memory_space<vmem>>, vector<16xf32>,
      tpu.vector_store %arg5[%swap3A_933, %swap3A_934, %swap3A_935], %broadcast_in_dim3A_5 {strides = array<i32>} : memref<2x20x1000xf32, #tpu.memory_space<vmem>>, vector<16xf32>,
      %swap3A_937 = arith.constant 1 : i32
      %swap3A_938 = arith.index_cast %swap3A_937 : i32 to index
      %swap3A_939 = arith.index_cast %scan3A_121 : i32 to index
      %swap3A_940 = arith.constant 288 : index
      %swap3A_941 = tpu.vector_load %arg6[%swap3A_938, %swap3A_939, %swap3A_940] {strides = array<i32>} : memref<2x20x1000xf32, #tpu.memory_space<vmem>>, vector<16xf32>,
      tpu.vector_store %arg6[%swap3A_938, %swap3A_939, %swap3A_940], %broadcast_in_dim3A_5 {strides = array<i32>} : memref<2x20x1000xf32, #tpu.memory_space<vmem>>, vector<16xf32>,
      %swap3A_942 = arith.constant 1 : i32
      %swap3A_943 = arith.index_cast %swap3A_942 : i32 to index
      %swap3A_944 = arith.index_cast %scan3A_121 : i32 to index
      %swap3A_945 = arith.constant 304 : index
      %swap3A_946 = tpu.vector_load %arg5[%swap3A_943, %swap3A_944, %swap3A_945] {strides = array<i32>} : memref<2x20x1000xf32, #tpu.memory_space<vmem>>, vector<16xf32>,
      tpu.vector_store %arg5[%swap3A_943, %swap3A_944, %swap3A_945], %broadcast_in_dim3A_5 {strides = array<i32>} : memref<2x20x1000xf32, #tpu.memory_space<vmem>>, vector<16xf32>,
      %swap3A_947 = arith.constant 1 : i32
      %swap3A_948 = arith.index_cast %swap3A_947 : i32 to index
      %swap3A_949 = arith.index_cast %scan3A_121 : i32 to index
      %swap3A_950 = arith.constant 304 : index
      %swap3A_951 = tpu.vector_load %arg6[%swap3A_948, %swap3A_949, %swap3A_950] {strides = array<i32>} : memref<2x20x1000xf32, #tpu.memory_space<vmem>>, vector<16xf32>,
      tpu.vector_store %arg6[%swap3A_948, %swap3A_949, %swap3A_950], %broadcast_in_dim3A_5 {strides = array<i32>} : memref<2x20x1000xf32, #tpu.memory_space<vmem>>, vector<16xf32>,
      %swap3A_952 = arith.constant 1 : i32
      %swap3A_953 = arith.index_cast %swap3A_952 : i32 to index
      %swap3A_954 = arith.index_cast %scan3A_121 : i32 to index
      %swap3A_955 = arith.constant 320 : index
      %swap3A_956 = tpu.vector_load %arg5[%swap3A_953, %swap3A_954, %swap3A_955] {strides = array<i32>} : memref<2x20x1000xf32, #tpu.memory_space<vmem>>, vector<16xf32>,
      tpu.vector_store %arg5[%swap3A_953, %swap3A_954, %swap3A_955], %broadcast_in_dim3A_5 {strides = array<i32>} : memref<2x20x1000xf32, #tpu.memory_space<vmem>>, vector<16xf32>,
      %swap3A_957 = arith.constant 1 : i32
      %swap3A_958 = arith.index_cast %swap3A_957 : i32 to index
      %swap3A_959 = arith.index_cast %scan3A_121 : i32 to index
      %swap3A_960 = arith.constant 320 : index
      %swap3A_961 = tpu.vector_load %arg6[%swap3A_958, %swap3A_959, %swap3A_960] {strides = array<i32>} : memref<2x20x1000xf32, #tpu.memory_space<vmem>>, vector<16xf32>,
      tpu.vector_store %arg6[%swap3A_958, %swap3A_959, %swap3A_960], %broadcast_in_dim3A_5 {strides = array<i32>} : memref<2x20x1000xf32, #tpu.memory_space<vmem>>, vector<16xf32>,
      %swap3A_962 = arith.constant 1 : i32
      %swap3A_963 = arith.index_cast %swap3A_962 : i32 to index
      %swap3A_964 = arith.index_cast %scan3A_121 : i32 to index
      %swap3A_965 = arith.constant 336 : index
      %swap3A_966 = tpu.vector_load %arg5[%swap3A_963, %swap3A_964, %swap3A_965] {strides = array<i32>} : memref<2x20x1000xf32, #tpu.memory_space<vmem>>, vector<16xf32>,
      tpu.vector_store %arg5[%swap3A_963, %swap3A_964, %swap3A_965], %broadcast_in_dim3A_5 {strides = array<i32>} : memref<2x20x1000xf32, #tpu.memory_space<vmem>>, vector<16xf32>,
      %swap3A_967 = arith.constant 1 : i32
      %swap3A_968 = arith.index_cast %swap3A_967 : i32 to index
      %swap3A_969 = arith.index_cast %scan3A_121 : i32 to index
      %swap3A_970 = arith.constant 336 : index
      %swap3A_971 = tpu.vector_load %arg6[%swap3A_968, %swap3A_969, %swap3A_970] {strides = array<i32>} : memref<2x20x1000xf32, #tpu.memory_space<vmem>>, vector<16xf32>,
      tpu.vector_store %arg6[%swap3A_968, %swap3A_969, %swap3A_970], %broadcast_in_dim3A_5 {strides = array<i32>} : memref<2x20x1000xf32, #tpu.memory_space<vmem>>, vector<16xf32>,
      %swap3A_972 = arith.constant 1 : i32
      %swap3A_973 = arith.index_cast %swap3A_972 : i32 to index
      %swap3A_974 = arith.index_cast %scan3A_121 : i32 to index
      %swap3A_975 = arith.constant 352 : index
      %swap3A_976 = tpu.vector_load %arg5[%swap3A_973, %swap3A_974, %swap3A_975] {strides = array<i32>} : memref<2x20x1000xf32, #tpu.memory_space<vmem>>, vector<16xf32>,
      tpu.vector_store %arg5[%swap3A_973, %swap3A_974, %swap3A_975], %broadcast_in_dim3A_5 {strides = array<i32>} : memref<2x20x1000xf32, #tpu.memory_space<vmem>>, vector<16xf32>,
      %swap3A_977 = arith.constant 1 : i32
      %swap3A_978 = arith.index_cast %swap3A_977 : i32 to index
      %swap3A_979 = arith.index_cast %scan3A_121 : i32 to index
      %swap3A_980 = arith.constant 352 : index
      %swap3A_981 = tpu.vector_load %arg6[%swap3A_978, %swap3A_979, %swap3A_980] {strides = array<i32>} : memref<2x20x1000xf32, #tpu.memory_space<vmem>>, vector<16xf32>,
      tpu.vector_store %arg6[%swap3A_978, %swap3A_979, %swap3A_980], %broadcast_in_dim3A_5 {strides = array<i32>} : memref<2x20x1000xf32, #tpu.memory_space<vmem>>, vector<16xf32>,
      %swap3A_982 = arith.constant 1 : i32
      %swap3A_983 = arith.index_cast %swap3A_982 : i32 to index
      %swap3A_984 = arith.index_cast %scan3A_121 : i32 to index
      %swap3A_985 = arith.constant 368 : index
      %swap3A_986 = tpu.vector_load %arg5[%swap3A_983, %swap3A_984, %swap3A_985] {strides = array<i32>} : memref<2x20x1000xf32, #tpu.memory_space<vmem>>, vector<16xf32>,
      tpu.vector_store %arg5[%swap3A_983, %swap3A_984, %swap3A_985], %broadcast_in_dim3A_5 {strides = array<i32>} : memref<2x20x1000xf32, #tpu.memory_space<vmem>>, vector<16xf32>,
      %swap3A_987 = arith.constant 1 : i32
      %swap3A_988 = arith.index_cast %swap3A_987 : i32 to index
      %swap3A_989 = arith.index_cast %scan3A_121 : i32 to index
      %swap3A_990 = arith.constant 368 : index
      %swap3A_991 = tpu.vector_load %arg6[%swap3A_988, %swap3A_989, %swap3A_990] {strides = array<i32>} : memref<2x20x1000xf32, #tpu.memory_space<vmem>>, vector<16xf32>,
      tpu.vector_store %arg6[%swap3A_988, %swap3A_989, %swap3A_990], %broadcast_in_dim3A_5 {strides = array<i32>} : memref<2x20x1000xf32, #tpu.memory_space<vmem>>, vector<16xf32>,
      %swap3A_992 = arith.constant 1 : i32
      %swap3A_993 = arith.index_cast %swap3A_992 : i32 to index
      %swap3A_994 = arith.index_cast %scan3A_121 : i32 to index
      %swap3A_995 = arith.constant 384 : index
      %swap3A_996 = tpu.vector_load %arg5[%swap3A_993, %swap3A_994, %swap3A_995] {strides = array<i32>} : memref<2x20x1000xf32, #tpu.memory_space<vmem>>, vector<16xf32>,
      tpu.vector_store %arg5[%swap3A_993, %swap3A_994, %swap3A_995], %broadcast_in_dim3A_5 {strides = array<i32>} : memref<2x20x1000xf32, #tpu.memory_space<vmem>>, vector<16xf32>,
      %swap3A_997 = arith.constant 1 : i32
      %swap3A_998 = arith.index_cast %swap3A_997 : i32 to index
      %swap3A_999 = arith.index_cast %scan3A_121 : i32 to index
      %swap3A_1000 = arith.constant 384 : index
      %swap3A_1001 = tpu.vector_load %arg6[%swap3A_998, %swap3A_999, %swap3A_1000] {strides = array<i32>} : memref<2x20x1000xf32, #tpu.memory_space<vmem>>, vector<16xf32>,
      tpu.vector_store %arg6[%swap3A_998, %swap3A_999, %swap3A_1000], %broadcast_in_dim3A_5 {strides = array<i32>} : memref<2x20x1000xf32, #tpu.memory_space<vmem>>, vector<16xf32>,
      %swap3A_1002 = arith.constant 1 : i32
      %swap3A_1003 = arith.index_cast %swap3A_1002 : i32 to index
      %swap3A_1004 = arith.index_cast %scan3A_121 : i32 to index
      %swap3A_1005 = arith.constant 400 : index
      %swap3A_1006 = tpu.vector_load %arg5[%swap3A_1003, %swap3A_1004, %swap3A_1005] {strides = array<i32>} : memref<2x20x1000xf32, #tpu.memory_space<vmem>>, vector<16xf32>,
      tpu.vector_store %arg5[%swap3A_1003, %swap3A_1004, %swap3A_1005], %broadcast_in_dim3A_5 {strides = array<i32>} : memref<2x20x1000xf32, #tpu.memory_space<vmem>>, vector<16xf32>,
      %swap3A_1007 = arith.constant 1 : i32
      %swap3A_1008 = arith.index_cast %swap3A_1007 : i32 to index
      %swap3A_1009 = arith.index_cast %scan3A_121 : i32 to index
      %swap3A_1010 = arith.constant 400 : index
      %swap3A_1011 = tpu.vector_load %arg6[%swap3A_1008, %swap3A_1009, %swap3A_1010] {strides = array<i32>} : memref<2x20x1000xf32, #tpu.memory_space<vmem>>, vector<16xf32>,
      tpu.vector_store %arg6[%swap3A_1008, %swap3A_1009, %swap3A_1010], %broadcast_in_dim3A_5 {strides = array<i32>} : memref<2x20x1000xf32, #tpu.memory_space<vmem>>, vector<16xf32>,
      %swap3A_1012 = arith.constant 1 : i32
      %swap3A_1013 = arith.index_cast %swap3A_1012 : i32 to index
      %swap3A_1014 = arith.index_cast %scan3A_121 : i32 to index
      %swap3A_1015 = arith.constant 416 : index
      %swap3A_1016 = tpu.vector_load %arg5[%swap3A_1013, %swap3A_1014, %swap3A_1015] {strides = array<i32>} : memref<2x20x1000xf32, #tpu.memory_space<vmem>>, vector<16xf32>,
      tpu.vector_store %arg5[%swap3A_1013, %swap3A_1014, %swap3A_1015], %broadcast_in_dim3A_5 {strides = array<i32>} : memref<2x20x1000xf32, #tpu.memory_space<vmem>>, vector<16xf32>,
      %swap3A_1017 = arith.constant 1 : i32
      %swap3A_1018 = arith.index_cast %swap3A_1017 : i32 to index
      %swap3A_1019 = arith.index_cast %scan3A_121 : i32 to index
      %swap3A_1020 = arith.constant 416 : index
      %swap3A_1021 = tpu.vector_load %arg6[%swap3A_1018, %swap3A_1019, %swap3A_1020] {strides = array<i32>} : memref<2x20x1000xf32, #tpu.memory_space<vmem>>, vector<16xf32>,
      tpu.vector_store %arg6[%swap3A_1018, %swap3A_1019, %swap3A_1020], %broadcast_in_dim3A_5 {strides = array<i32>} : memref<2x20x1000xf32, #tpu.memory_space<vmem>>, vector<16xf32>,
      %swap3A_1022 = arith.constant 1 : i32
      %swap3A_1023 = arith.index_cast %swap3A_1022 : i32 to index
      %swap3A_1024 = arith.index_cast %scan3A_121 : i32 to index
      %swap3A_1025 = arith.constant 432 : index
      %swap3A_1026 = tpu.vector_load %arg5[%swap3A_1023, %swap3A_1024, %swap3A_1025] {strides = array<i32>} : memref<2x20x1000xf32, #tpu.memory_space<vmem>>, vector<16xf32>,
      tpu.vector_store %arg5[%swap3A_1023, %swap3A_1024, %swap3A_1025], %broadcast_in_dim3A_5 {strides = array<i32>} : memref<2x20x1000xf32, #tpu.memory_space<vmem>>, vector<16xf32>,
      %swap3A_1027 = arith.constant 1 : i32
      %swap3A_1028 = arith.index_cast %swap3A_1027 : i32 to index
      %swap3A_1029 = arith.index_cast %scan3A_121 : i32 to index
      %swap3A_1030 = arith.constant 432 : index
      %swap3A_1031 = tpu.vector_load %arg6[%swap3A_1028, %swap3A_1029, %swap3A_1030] {strides = array<i32>} : memref<2x20x1000xf32, #tpu.memory_space<vmem>>, vector<16xf32>,
      tpu.vector_store %arg6[%swap3A_1028, %swap3A_1029, %swap3A_1030], %broadcast_in_dim3A_5 {strides = array<i32>} : memref<2x20x1000xf32, #tpu.memory_space<vmem>>, vector<16xf32>,
      %swap3A_1032 = arith.constant 1 : i32
      %swap3A_1033 = arith.index_cast %swap3A_1032 : i32 to index
      %swap3A_1034 = arith.index_cast %scan3A_121 : i32 to index
      %swap3A_1035 = arith.constant 448 : index
      %swap3A_1036 = tpu.vector_load %arg5[%swap3A_1033, %swap3A_1034, %swap3A_1035] {strides = array<i32>} : memref<2x20x1000xf32, #tpu.memory_space<vmem>>, vector<16xf32>,
      tpu.vector_store %arg5[%swap3A_1033, %swap3A_1034, %swap3A_1035], %broadcast_in_dim3A_5 {strides = array<i32>} : memref<2x20x1000xf32, #tpu.memory_space<vmem>>, vector<16xf32>,
      %swap3A_1037 = arith.constant 1 : i32
      %swap3A_1038 = arith.index_cast %swap3A_1037 : i32 to index
      %swap3A_1039 = arith.index_cast %scan3A_121 : i32 to index
      %swap3A_1040 = arith.constant 448 : index
      %swap3A_1041 = tpu.vector_load %arg6[%swap3A_1038, %swap3A_1039, %swap3A_1040] {strides = array<i32>} : memref<2x20x1000xf32, #tpu.memory_space<vmem>>, vector<16xf32>,
      tpu.vector_store %arg6[%swap3A_1038, %swap3A_1039, %swap3A_1040], %broadcast_in_dim3A_5 {strides = array<i32>} : memref<2x20x1000xf32, #tpu.memory_space<vmem>>, vector<16xf32>,
      %swap3A_1042 = arith.constant 1 : i32
      %swap3A_1043 = arith.index_cast %swap3A_1042 : i32 to index
      %swap3A_1044 = arith.index_cast %scan3A_121 : i32 to index
      %swap3A_1045 = arith.constant 464 : index
      %swap3A_1046 = tpu.vector_load %arg5[%swap3A_1043, %swap3A_1044, %swap3A_1045] {strides = array<i32>} : memref<2x20x1000xf32, #tpu.memory_space<vmem>>, vector<16xf32>,
      tpu.vector_store %arg5[%swap3A_1043, %swap3A_1044, %swap3A_1045], %broadcast_in_dim3A_5 {strides = array<i32>} : memref<2x20x1000xf32, #tpu.memory_space<vmem>>, vector<16xf32>,
      %swap3A_1047 = arith.constant 1 : i32
      %swap3A_1048 = arith.index_cast %swap3A_1047 : i32 to index
      %swap3A_1049 = arith.index_cast %scan3A_121 : i32 to index
      %swap3A_1050 = arith.constant 464 : index
      %swap3A_1051 = tpu.vector_load %arg6[%swap3A_1048, %swap3A_1049, %swap3A_1050] {strides = array<i32>} : memref<2x20x1000xf32, #tpu.memory_space<vmem>>, vector<16xf32>,
      tpu.vector_store %arg6[%swap3A_1048, %swap3A_1049, %swap3A_1050], %broadcast_in_dim3A_5 {strides = array<i32>} : memref<2x20x1000xf32, #tpu.memory_space<vmem>>, vector<16xf32>,
      %swap3A_1052 = arith.constant 1 : i32
      %swap3A_1053 = arith.index_cast %swap3A_1052 : i32 to index
      %swap3A_1054 = arith.index_cast %scan3A_121 : i32 to index
      %swap3A_1055 = arith.constant 480 : index
      %swap3A_1056 = tpu.vector_load %arg5[%swap3A_1053, %swap3A_1054, %swap3A_1055] {strides = array<i32>} : memref<2x20x1000xf32, #tpu.memory_space<vmem>>, vector<16xf32>,
      tpu.vector_store %arg5[%swap3A_1053, %swap3A_1054, %swap3A_1055], %broadcast_in_dim3A_5 {strides = array<i32>} : memref<2x20x1000xf32, #tpu.memory_space<vmem>>, vector<16xf32>,
      %swap3A_1057 = arith.constant 1 : i32
      %swap3A_1058 = arith.index_cast %swap3A_1057 : i32 to index
      %swap3A_1059 = arith.index_cast %scan3A_121 : i32 to index
      %swap3A_1060 = arith.constant 480 : index
      %swap3A_1061 = tpu.vector_load %arg6[%swap3A_1058, %swap3A_1059, %swap3A_1060] {strides = array<i32>} : memref<2x20x1000xf32, #tpu.memory_space<vmem>>, vector<16xf32>,
      tpu.vector_store %arg6[%swap3A_1058, %swap3A_1059, %swap3A_1060], %broadcast_in_dim3A_5 {strides = array<i32>} : memref<2x20x1000xf32, #tpu.memory_space<vmem>>, vector<16xf32>,
      %swap3A_1062 = arith.constant 1 : i32
      %swap3A_1063 = arith.index_cast %swap3A_1062 : i32 to index
      %swap3A_1064 = arith.index_cast %scan3A_121 : i32 to index
      %swap3A_1065 = arith.constant 496 : index
      %swap3A_1066 = tpu.vector_load %arg5[%swap3A_1063, %swap3A_1064, %swap3A_1065] {strides = array<i32>} : memref<2x20x1000xf32, #tpu.memory_space<vmem>>, vector<16xf32>,
      tpu.vector_store %arg5[%swap3A_1063, %swap3A_1064, %swap3A_1065], %broadcast_in_dim3A_5 {strides = array<i32>} : memref<2x20x1000xf32, #tpu.memory_space<vmem>>, vector<16xf32>,
      %swap3A_1067 = arith.constant 1 : i32
      %swap3A_1068 = arith.index_cast %swap3A_1067 : i32 to index
      %swap3A_1069 = arith.index_cast %scan3A_121 : i32 to index
      %swap3A_1070 = arith.constant 496 : index
      %swap3A_1071 = tpu.vector_load %arg6[%swap3A_1068, %swap3A_1069, %swap3A_1070] {strides = array<i32>} : memref<2x20x1000xf32, #tpu.memory_space<vmem>>, vector<16xf32>,
      tpu.vector_store %arg6[%swap3A_1068, %swap3A_1069, %swap3A_1070], %broadcast_in_dim3A_5 {strides = array<i32>} : memref<2x20x1000xf32, #tpu.memory_space<vmem>>, vector<16xf32>,
      %swap3A_1072 = arith.constant 1 : i32
      %swap3A_1073 = arith.index_cast %swap3A_1072 : i32 to index
      %swap3A_1074 = arith.index_cast %scan3A_121 : i32 to index
      %swap3A_1075 = arith.constant 512 : index
      %swap3A_1076 = tpu.vector_load %arg5[%swap3A_1073, %swap3A_1074, %swap3A_1075] {strides = array<i32>} : memref<2x20x1000xf32, #tpu.memory_space<vmem>>, vector<16xf32>,
      tpu.vector_store %arg5[%swap3A_1073, %swap3A_1074, %swap3A_1075], %broadcast_in_dim3A_5 {strides = array<i32>} : memref<2x20x1000xf32, #tpu.memory_space<vmem>>, vector<16xf32>,
      %swap3A_1077 = arith.constant 1 : i32
      %swap3A_1078 = arith.index_cast %swap3A_1077 : i32 to index
      %swap3A_1079 = arith.index_cast %scan3A_121 : i32 to index
      %swap3A_1080 = arith.constant 512 : index
      %swap3A_1081 = tpu.vector_load %arg6[%swap3A_1078, %swap3A_1079, %swap3A_1080] {strides = array<i32>} : memref<2x20x1000xf32, #tpu.memory_space<vmem>>, vector<16xf32>,
      tpu.vector_store %arg6[%swap3A_1078, %swap3A_1079, %swap3A_1080], %broadcast_in_dim3A_5 {strides = array<i32>} : memref<2x20x1000xf32, #tpu.memory_space<vmem>>, vector<16xf32>,
      %swap3A_1082 = arith.constant 1 : i32
      %swap3A_1083 = arith.index_cast %swap3A_1082 : i32 to index
      %swap3A_1084 = arith.index_cast %scan3A_121 : i32 to index
      %swap3A_1085 = arith.constant 528 : index
      %swap3A_1086 = tpu.vector_load %arg5[%swap3A_1083, %swap3A_1084, %swap3A_1085] {strides = array<i32>} : memref<2x20x1000xf32, #tpu.memory_space<vmem>>, vector<16xf32>,
      tpu.vector_store %arg5[%swap3A_1083, %swap3A_1084, %swap3A_1085], %broadcast_in_dim3A_5 {strides = array<i32>} : memref<2x20x1000xf32, #tpu.memory_space<vmem>>, vector<16xf32>,
      %swap3A_1087 = arith.constant 1 : i32
      %swap3A_1088 = arith.index_cast %swap3A_1087 : i32 to index
      %swap3A_1089 = arith.index_cast %scan3A_121 : i32 to index
      %swap3A_1090 = arith.constant 528 : index
      %swap3A_1091 = tpu.vector_load %arg6[%swap3A_1088, %swap3A_1089, %swap3A_1090] {strides = array<i32>} : memref<2x20x1000xf32, #tpu.memory_space<vmem>>, vector<16xf32>,
      tpu.vector_store %arg6[%swap3A_1088, %swap3A_1089, %swap3A_1090], %broadcast_in_dim3A_5 {strides = array<i32>} : memref<2x20x1000xf32, #tpu.memory_space<vmem>>, vector<16xf32>,
      %swap3A_1092 = arith.constant 1 : i32
      %swap3A_1093 = arith.index_cast %swap3A_1092 : i32 to index
      %swap3A_1094 = arith.index_cast %scan3A_121 : i32 to index
      %swap3A_1095 = arith.constant 544 : index
      %swap3A_1096 = tpu.vector_load %arg5[%swap3A_1093, %swap3A_1094, %swap3A_1095] {strides = array<i32>} : memref<2x20x1000xf32, #tpu.memory_space<vmem>>, vector<16xf32>,
      tpu.vector_store %arg5[%swap3A_1093, %swap3A_1094, %swap3A_1095], %broadcast_in_dim3A_5 {strides = array<i32>} : memref<2x20x1000xf32, #tpu.memory_space<vmem>>, vector<16xf32>,
      %swap3A_1097 = arith.constant 1 : i32
      %swap3A_1098 = arith.index_cast %swap3A_1097 : i32 to index
      %swap3A_1099 = arith.index_cast %scan3A_121 : i32 to index
      %swap3A_1100 = arith.constant 544 : index
      %swap3A_1101 = tpu.vector_load %arg6[%swap3A_1098, %swap3A_1099, %swap3A_1100] {strides = array<i32>} : memref<2x20x1000xf32, #tpu.memory_space<vmem>>, vector<16xf32>,
      tpu.vector_store %arg6[%swap3A_1098, %swap3A_1099, %swap3A_1100], %broadcast_in_dim3A_5 {strides = array<i32>} : memref<2x20x1000xf32, #tpu.memory_space<vmem>>, vector<16xf32>,
      %swap3A_1102 = arith.constant 1 : i32
      %swap3A_1103 = arith.index_cast %swap3A_1102 : i32 to index
      %swap3A_1104 = arith.index_cast %scan3A_121 : i32 to index
      %swap3A_1105 = arith.constant 560 : index
      %swap3A_1106 = tpu.vector_load %arg5[%swap3A_1103, %swap3A_1104, %swap3A_1105] {strides = array<i32>} : memref<2x20x1000xf32, #tpu.memory_space<vmem>>, vector<16xf32>,
      tpu.vector_store %arg5[%swap3A_1103, %swap3A_1104, %swap3A_1105], %broadcast_in_dim3A_5 {strides = array<i32>} : memref<2x20x1000xf32, #tpu.memory_space<vmem>>, vector<16xf32>,
      %swap3A_1107 = arith.constant 1 : i32
      %swap3A_1108 = arith.index_cast %swap3A_1107 : i32 to index
      %swap3A_1109 = arith.index_cast %scan3A_121 : i32 to index
      %swap3A_1110 = arith.constant 560 : index
      %swap3A_1111 = tpu.vector_load %arg6[%swap3A_1108, %swap3A_1109, %swap3A_1110] {strides = array<i32>} : memref<2x20x1000xf32, #tpu.memory_space<vmem>>, vector<16xf32>,
      tpu.vector_store %arg6[%swap3A_1108, %swap3A_1109, %swap3A_1110], %broadcast_in_dim3A_5 {strides = array<i32>} : memref<2x20x1000xf32, #tpu.memory_space<vmem>>, vector<16xf32>,
      %swap3A_1112 = arith.constant 1 : i32
      %swap3A_1113 = arith.index_cast %swap3A_1112 : i32 to index
      %swap3A_1114 = arith.index_cast %scan3A_121 : i32 to index
      %swap3A_1115 = arith.constant 576 : index
      %swap3A_1116 = tpu.vector_load %arg5[%swap3A_1113, %swap3A_1114, %swap3A_1115] {strides = array<i32>} : memref<2x20x1000xf32, #tpu.memory_space<vmem>>, vector<16xf32>,
      tpu.vector_store %arg5[%swap3A_1113, %swap3A_1114, %swap3A_1115], %broadcast_in_dim3A_5 {strides = array<i32>} : memref<2x20x1000xf32, #tpu.memory_space<vmem>>, vector<16xf32>,
      %swap3A_1117 = arith.constant 1 : i32
      %swap3A_1118 = arith.index_cast %swap3A_1117 : i32 to index
      %swap3A_1119 = arith.index_cast %scan3A_121 : i32 to index
      %swap3A_1120 = arith.constant 576 : index
      %swap3A_1121 = tpu.vector_load %arg6[%swap3A_1118, %swap3A_1119, %swap3A_1120] {strides = array<i32>} : memref<2x20x1000xf32, #tpu.memory_space<vmem>>, vector<16xf32>,
      tpu.vector_store %arg6[%swap3A_1118, %swap3A_1119, %swap3A_1120], %broadcast_in_dim3A_5 {strides = array<i32>} : memref<2x20x1000xf32, #tpu.memory_space<vmem>>, vector<16xf32>,
      %swap3A_1122 = arith.constant 1 : i32
      %swap3A_1123 = arith.index_cast %swap3A_1122 : i32 to index
      %swap3A_1124 = arith.index_cast %scan3A_121 : i32 to index
      %swap3A_1125 = arith.constant 592 : index
      %swap3A_1126 = tpu.vector_load %arg5[%swap3A_1123, %swap3A_1124, %swap3A_1125] {strides = array<i32>} : memref<2x20x1000xf32, #tpu.memory_space<vmem>>, vector<16xf32>,
      tpu.vector_store %arg5[%swap3A_1123, %swap3A_1124, %swap3A_1125], %broadcast_in_dim3A_5 {strides = array<i32>} : memref<2x20x1000xf32, #tpu.memory_space<vmem>>, vector<16xf32>,
      %swap3A_1127 = arith.constant 1 : i32
      %swap3A_1128 = arith.index_cast %swap3A_1127 : i32 to index
      %swap3A_1129 = arith.index_cast %scan3A_121 : i32 to index
      %swap3A_1130 = arith.constant 592 : index
      %swap3A_1131 = tpu.vector_load %arg6[%swap3A_1128, %swap3A_1129, %swap3A_1130] {strides = array<i32>} : memref<2x20x1000xf32, #tpu.memory_space<vmem>>, vector<16xf32>,
      tpu.vector_store %arg6[%swap3A_1128, %swap3A_1129, %swap3A_1130], %broadcast_in_dim3A_5 {strides = array<i32>} : memref<2x20x1000xf32, #tpu.memory_space<vmem>>, vector<16xf32>,
      %swap3A_1132 = arith.constant 1 : i32
      %swap3A_1133 = arith.index_cast %swap3A_1132 : i32 to index
      %swap3A_1134 = arith.index_cast %scan3A_121 : i32 to index
      %swap3A_1135 = arith.constant 608 : index
      %swap3A_1136 = tpu.vector_load %arg5[%swap3A_1133, %swap3A_1134, %swap3A_1135] {strides = array<i32>} : memref<2x20x1000xf32, #tpu.memory_space<vmem>>, vector<16xf32>,
      tpu.vector_store %arg5[%swap3A_1133, %swap3A_1134, %swap3A_1135], %broadcast_in_dim3A_5 {strides = array<i32>} : memref<2x20x1000xf32, #tpu.memory_space<vmem>>, vector<16xf32>,
      %swap3A_1137 = arith.constant 1 : i32
      %swap3A_1138 = arith.index_cast %swap3A_1137 : i32 to index
      %swap3A_1139 = arith.index_cast %scan3A_121 : i32 to index
      %swap3A_1140 = arith.constant 608 : index
      %swap3A_1141 = tpu.vector_load %arg6[%swap3A_1138, %swap3A_1139, %swap3A_1140] {strides = array<i32>} : memref<2x20x1000xf32, #tpu.memory_space<vmem>>, vector<16xf32>,
      tpu.vector_store %arg6[%swap3A_1138, %swap3A_1139, %swap3A_1140], %broadcast_in_dim3A_5 {strides = array<i32>} : memref<2x20x1000xf32, #tpu.memory_space<vmem>>, vector<16xf32>,
      %swap3A_1142 = arith.constant 1 : i32
      %swap3A_1143 = arith.index_cast %swap3A_1142 : i32 to index
      %swap3A_1144 = arith.index_cast %scan3A_121 : i32 to index
      %swap3A_1145 = arith.constant 624 : index
      %swap3A_1146 = tpu.vector_load %arg5[%swap3A_1143, %swap3A_1144, %swap3A_1145] {strides = array<i32>} : memref<2x20x1000xf32, #tpu.memory_space<vmem>>, vector<16xf32>,
      tpu.vector_store %arg5[%swap3A_1143, %swap3A_1144, %swap3A_1145], %broadcast_in_dim3A_5 {strides = array<i32>} : memref<2x20x1000xf32, #tpu.memory_space<vmem>>, vector<16xf32>,
      %swap3A_1147 = arith.constant 1 : i32
      %swap3A_1148 = arith.index_cast %swap3A_1147 : i32 to index
      %swap3A_1149 = arith.index_cast %scan3A_121 : i32 to index
      %swap3A_1150 = arith.constant 624 : index
      %swap3A_1151 = tpu.vector_load %arg6[%swap3A_1148, %swap3A_1149, %swap3A_1150] {strides = array<i32>} : memref<2x20x1000xf32, #tpu.memory_space<vmem>>, vector<16xf32>,
      tpu.vector_store %arg6[%swap3A_1148, %swap3A_1149, %swap3A_1150], %broadcast_in_dim3A_5 {strides = array<i32>} : memref<2x20x1000xf32, #tpu.memory_space<vmem>>, vector<16xf32>,
      %swap3A_1152 = arith.constant 1 : i32
      %swap3A_1153 = arith.index_cast %swap3A_1152 : i32 to index
      %swap3A_1154 = arith.index_cast %scan3A_121 : i32 to index
      %swap3A_1155 = arith.constant 640 : index
      %swap3A_1156 = tpu.vector_load %arg5[%swap3A_1153, %swap3A_1154, %swap3A_1155] {strides = array<i32>} : memref<2x20x1000xf32, #tpu.memory_space<vmem>>, vector<16xf32>,
      tpu.vector_store %arg5[%swap3A_1153, %swap3A_1154, %swap3A_1155], %broadcast_in_dim3A_5 {strides = array<i32>} : memref<2x20x1000xf32, #tpu.memory_space<vmem>>, vector<16xf32>,
      %swap3A_1157 = arith.constant 1 : i32
      %swap3A_1158 = arith.index_cast %swap3A_1157 : i32 to index
      %swap3A_1159 = arith.index_cast %scan3A_121 : i32 to index
      %swap3A_1160 = arith.constant 640 : index
      %swap3A_1161 = tpu.vector_load %arg6[%swap3A_1158, %swap3A_1159, %swap3A_1160] {strides = array<i32>} : memref<2x20x1000xf32, #tpu.memory_space<vmem>>, vector<16xf32>,
      tpu.vector_store %arg6[%swap3A_1158, %swap3A_1159, %swap3A_1160], %broadcast_in_dim3A_5 {strides = array<i32>} : memref<2x20x1000xf32, #tpu.memory_space<vmem>>, vector<16xf32>,
      %swap3A_1162 = arith.constant 1 : i32
      %swap3A_1163 = arith.index_cast %swap3A_1162 : i32 to index
      %swap3A_1164 = arith.index_cast %scan3A_121 : i32 to index
      %swap3A_1165 = arith.constant 656 : index
      %swap3A_1166 = tpu.vector_load %arg5[%swap3A_1163, %swap3A_1164, %swap3A_1165] {strides = array<i32>} : memref<2x20x1000xf32, #tpu.memory_space<vmem>>, vector<16xf32>,
      tpu.vector_store %arg5[%swap3A_1163, %swap3A_1164, %swap3A_1165], %broadcast_in_dim3A_5 {strides = array<i32>} : memref<2x20x1000xf32, #tpu.memory_space<vmem>>, vector<16xf32>,
      %swap3A_1167 = arith.constant 1 : i32
      %swap3A_1168 = arith.index_cast %swap3A_1167 : i32 to index
      %swap3A_1169 = arith.index_cast %scan3A_121 : i32 to index
      %swap3A_1170 = arith.constant 656 : index
      %swap3A_1171 = tpu.vector_load %arg6[%swap3A_1168, %swap3A_1169, %swap3A_1170] {strides = array<i32>} : memref<2x20x1000xf32, #tpu.memory_space<vmem>>, vector<16xf32>,
      tpu.vector_store %arg6[%swap3A_1168, %swap3A_1169, %swap3A_1170], %broadcast_in_dim3A_5 {strides = array<i32>} : memref<2x20x1000xf32, #tpu.memory_space<vmem>>, vector<16xf32>,
      %swap3A_1172 = arith.constant 1 : i32
      %swap3A_1173 = arith.index_cast %swap3A_1172 : i32 to index
      %swap3A_1174 = arith.index_cast %scan3A_121 : i32 to index
      %swap3A_1175 = arith.constant 672 : index
      %swap3A_1176 = tpu.vector_load %arg5[%swap3A_1173, %swap3A_1174, %swap3A_1175] {strides = array<i32>} : memref<2x20x1000xf32, #tpu.memory_space<vmem>>, vector<16xf32>,
      tpu.vector_store %arg5[%swap3A_1173, %swap3A_1174, %swap3A_1175], %broadcast_in_dim3A_5 {strides = array<i32>} : memref<2x20x1000xf32, #tpu.memory_space<vmem>>, vector<16xf32>,
      %swap3A_1177 = arith.constant 1 : i32
      %swap3A_1178 = arith.index_cast %swap3A_1177 : i32 to index
      %swap3A_1179 = arith.index_cast %scan3A_121 : i32 to index
      %swap3A_1180 = arith.constant 672 : index
      %swap3A_1181 = tpu.vector_load %arg6[%swap3A_1178, %swap3A_1179, %swap3A_1180] {strides = array<i32>} : memref<2x20x1000xf32, #tpu.memory_space<vmem>>, vector<16xf32>,
      tpu.vector_store %arg6[%swap3A_1178, %swap3A_1179, %swap3A_1180], %broadcast_in_dim3A_5 {strides = array<i32>} : memref<2x20x1000xf32, #tpu.memory_space<vmem>>, vector<16xf32>,
      %swap3A_1182 = arith.constant 1 : i32
      %swap3A_1183 = arith.index_cast %swap3A_1182 : i32 to index
      %swap3A_1184 = arith.index_cast %scan3A_121 : i32 to index
      %swap3A_1185 = arith.constant 688 : index
      %swap3A_1186 = tpu.vector_load %arg5[%swap3A_1183, %swap3A_1184, %swap3A_1185] {strides = array<i32>} : memref<2x20x1000xf32, #tpu.memory_space<vmem>>, vector<16xf32>,
      tpu.vector_store %arg5[%swap3A_1183, %swap3A_1184, %swap3A_1185], %broadcast_in_dim3A_5 {strides = array<i32>} : memref<2x20x1000xf32, #tpu.memory_space<vmem>>, vector<16xf32>,
      %swap3A_1187 = arith.constant 1 : i32
      %swap3A_1188 = arith.index_cast %swap3A_1187 : i32 to index
      %swap3A_1189 = arith.index_cast %scan3A_121 : i32 to index
      %swap3A_1190 = arith.constant 688 : index
      %swap3A_1191 = tpu.vector_load %arg6[%swap3A_1188, %swap3A_1189, %swap3A_1190] {strides = array<i32>} : memref<2x20x1000xf32, #tpu.memory_space<vmem>>, vector<16xf32>,
      tpu.vector_store %arg6[%swap3A_1188, %swap3A_1189, %swap3A_1190], %broadcast_in_dim3A_5 {strides = array<i32>} : memref<2x20x1000xf32, #tpu.memory_space<vmem>>, vector<16xf32>,
      %swap3A_1192 = arith.constant 1 : i32
      %swap3A_1193 = arith.index_cast %swap3A_1192 : i32 to index
      %swap3A_1194 = arith.index_cast %scan3A_121 : i32 to index
      %swap3A_1195 = arith.constant 704 : index
      %swap3A_1196 = tpu.vector_load %arg5[%swap3A_1193, %swap3A_1194, %swap3A_1195] {strides = array<i32>} : memref<2x20x1000xf32, #tpu.memory_space<vmem>>, vector<16xf32>,
      tpu.vector_store %arg5[%swap3A_1193, %swap3A_1194, %swap3A_1195], %broadcast_in_dim3A_5 {strides = array<i32>} : memref<2x20x1000xf32, #tpu.memory_space<vmem>>, vector<16xf32>,
      %swap3A_1197 = arith.constant 1 : i32
      %swap3A_1198 = arith.index_cast %swap3A_1197 : i32 to index
      %swap3A_1199 = arith.index_cast %scan3A_121 : i32 to index
      %swap3A_1200 = arith.constant 704 : index
      %swap3A_1201 = tpu.vector_load %arg6[%swap3A_1198, %swap3A_1199, %swap3A_1200] {strides = array<i32>} : memref<2x20x1000xf32, #tpu.memory_space<vmem>>, vector<16xf32>,
      tpu.vector_store %arg6[%swap3A_1198, %swap3A_1199, %swap3A_1200], %broadcast_in_dim3A_5 {strides = array<i32>} : memref<2x20x1000xf32, #tpu.memory_space<vmem>>, vector<16xf32>,
      %swap3A_1202 = arith.constant 1 : i32
      %swap3A_1203 = arith.index_cast %swap3A_1202 : i32 to index
      %swap3A_1204 = arith.index_cast %scan3A_121 : i32 to index
      %swap3A_1205 = arith.constant 720 : index
      %swap3A_1206 = tpu.vector_load %arg5[%swap3A_1203, %swap3A_1204, %swap3A_1205] {strides = array<i32>} : memref<2x20x1000xf32, #tpu.memory_space<vmem>>, vector<16xf32>,
      tpu.vector_store %arg5[%swap3A_1203, %swap3A_1204, %swap3A_1205], %broadcast_in_dim3A_5 {strides = array<i32>} : memref<2x20x1000xf32, #tpu.memory_space<vmem>>, vector<16xf32>,
      %swap3A_1207 = arith.constant 1 : i32
      %swap3A_1208 = arith.index_cast %swap3A_1207 : i32 to index
      %swap3A_1209 = arith.index_cast %scan3A_121 : i32 to index
      %swap3A_1210 = arith.constant 720 : index
      %swap3A_1211 = tpu.vector_load %arg6[%swap3A_1208, %swap3A_1209, %swap3A_1210] {strides = array<i32>} : memref<2x20x1000xf32, #tpu.memory_space<vmem>>, vector<16xf32>,
      tpu.vector_store %arg6[%swap3A_1208, %swap3A_1209, %swap3A_1210], %broadcast_in_dim3A_5 {strides = array<i32>} : memref<2x20x1000xf32, #tpu.memory_space<vmem>>, vector<16xf32>,
      %swap3A_1212 = arith.constant 1 : i32
      %swap3A_1213 = arith.index_cast %swap3A_1212 : i32 to index
      %swap3A_1214 = arith.index_cast %scan3A_121 : i32 to index
      %swap3A_1215 = arith.constant 736 : index
      %swap3A_1216 = tpu.vector_load %arg5[%swap3A_1213, %swap3A_1214, %swap3A_1215] {strides = array<i32>} : memref<2x20x1000xf32, #tpu.memory_space<vmem>>, vector<16xf32>,
      tpu.vector_store %arg5[%swap3A_1213, %swap3A_1214, %swap3A_1215], %broadcast_in_dim3A_5 {strides = array<i32>} : memref<2x20x1000xf32, #tpu.memory_space<vmem>>, vector<16xf32>,
      %swap3A_1217 = arith.constant 1 : i32
      %swap3A_1218 = arith.index_cast %swap3A_1217 : i32 to index
      %swap3A_1219 = arith.index_cast %scan3A_121 : i32 to index
      %swap3A_1220 = arith.constant 736 : index
      %swap3A_1221 = tpu.vector_load %arg6[%swap3A_1218, %swap3A_1219, %swap3A_1220] {strides = array<i32>} : memref<2x20x1000xf32, #tpu.memory_space<vmem>>, vector<16xf32>,
      tpu.vector_store %arg6[%swap3A_1218, %swap3A_1219, %swap3A_1220], %broadcast_in_dim3A_5 {strides = array<i32>} : memref<2x20x1000xf32, #tpu.memory_space<vmem>>, vector<16xf32>,
      %swap3A_1222 = arith.constant 1 : i32
      %swap3A_1223 = arith.index_cast %swap3A_1222 : i32 to index
      %swap3A_1224 = arith.index_cast %scan3A_121 : i32 to index
      %swap3A_1225 = arith.constant 752 : index
      %swap3A_1226 = tpu.vector_load %arg5[%swap3A_1223, %swap3A_1224, %swap3A_1225] {strides = array<i32>} : memref<2x20x1000xf32, #tpu.memory_space<vmem>>, vector<16xf32>,
      tpu.vector_store %arg5[%swap3A_1223, %swap3A_1224, %swap3A_1225], %broadcast_in_dim3A_5 {strides = array<i32>} : memref<2x20x1000xf32, #tpu.memory_space<vmem>>, vector<16xf32>,
      %swap3A_1227 = arith.constant 1 : i32
      %swap3A_1228 = arith.index_cast %swap3A_1227 : i32 to index
      %swap3A_1229 = arith.index_cast %scan3A_121 : i32 to index
      %swap3A_1230 = arith.constant 752 : index
      %swap3A_1231 = tpu.vector_load %arg6[%swap3A_1228, %swap3A_1229, %swap3A_1230] {strides = array<i32>} : memref<2x20x1000xf32, #tpu.memory_space<vmem>>, vector<16xf32>,
      tpu.vector_store %arg6[%swap3A_1228, %swap3A_1229, %swap3A_1230], %broadcast_in_dim3A_5 {strides = array<i32>} : memref<2x20x1000xf32, #tpu.memory_space<vmem>>, vector<16xf32>,
      %swap3A_1232 = arith.constant 1 : i32
      %swap3A_1233 = arith.index_cast %swap3A_1232 : i32 to index
      %swap3A_1234 = arith.index_cast %scan3A_121 : i32 to index
      %swap3A_1235 = arith.constant 768 : index
      %swap3A_1236 = tpu.vector_load %arg5[%swap3A_1233, %swap3A_1234, %swap3A_1235] {strides = array<i32>} : memref<2x20x1000xf32, #tpu.memory_space<vmem>>, vector<16xf32>,
      tpu.vector_store %arg5[%swap3A_1233, %swap3A_1234, %swap3A_1235], %broadcast_in_dim3A_5 {strides = array<i32>} : memref<2x20x1000xf32, #tpu.memory_space<vmem>>, vector<16xf32>,
      %swap3A_1237 = arith.constant 1 : i32
      %swap3A_1238 = arith.index_cast %swap3A_1237 : i32 to index
      %swap3A_1239 = arith.index_cast %scan3A_121 : i32 to index
      %swap3A_1240 = arith.constant 768 : index
      %swap3A_1241 = tpu.vector_load %arg6[%swap3A_1238, %swap3A_1239, %swap3A_1240] {strides = array<i32>} : memref<2x20x1000xf32, #tpu.memory_space<vmem>>, vector<16xf32>,
      tpu.vector_store %arg6[%swap3A_1238, %swap3A_1239, %swap3A_1240], %broadcast_in_dim3A_5 {strides = array<i32>} : memref<2x20x1000xf32, #tpu.memory_space<vmem>>, vector<16xf32>,
      %swap3A_1242 = arith.constant 1 : i32
      %swap3A_1243 = arith.index_cast %swap3A_1242 : i32 to index
      %swap3A_1244 = arith.index_cast %scan3A_121 : i32 to index
      %swap3A_1245 = arith.constant 784 : index
      %swap3A_1246 = tpu.vector_load %arg5[%swap3A_1243, %swap3A_1244, %swap3A_1245] {strides = array<i32>} : memref<2x20x1000xf32, #tpu.memory_space<vmem>>, vector<16xf32>,
      tpu.vector_store %arg5[%swap3A_1243, %swap3A_1244, %swap3A_1245], %broadcast_in_dim3A_5 {strides = array<i32>} : memref<2x20x1000xf32, #tpu.memory_space<vmem>>, vector<16xf32>,
      %swap3A_1247 = arith.constant 1 : i32
      %swap3A_1248 = arith.index_cast %swap3A_1247 : i32 to index
      %swap3A_1249 = arith.index_cast %scan3A_121 : i32 to index
      %swap3A_1250 = arith.constant 784 : index
      %swap3A_1251 = tpu.vector_load %arg6[%swap3A_1248, %swap3A_1249, %swap3A_1250] {strides = array<i32>} : memref<2x20x1000xf32, #tpu.memory_space<vmem>>, vector<16xf32>,
      tpu.vector_store %arg6[%swap3A_1248, %swap3A_1249, %swap3A_1250], %broadcast_in_dim3A_5 {strides = array<i32>} : memref<2x20x1000xf32, #tpu.memory_space<vmem>>, vector<16xf32>,
      %swap3A_1252 = arith.constant 1 : i32
      %swap3A_1253 = arith.index_cast %swap3A_1252 : i32 to index
      %swap3A_1254 = arith.index_cast %scan3A_121 : i32 to index
      %swap3A_1255 = arith.constant 800 : index
      %swap3A_1256 = tpu.vector_load %arg5[%swap3A_1253, %swap3A_1254, %swap3A_1255] {strides = array<i32>} : memref<2x20x1000xf32, #tpu.memory_space<vmem>>, vector<16xf32>,
      tpu.vector_store %arg5[%swap3A_1253, %swap3A_1254, %swap3A_1255], %broadcast_in_dim3A_5 {strides = array<i32>} : memref<2x20x1000xf32, #tpu.memory_space<vmem>>, vector<16xf32>,
      %swap3A_1257 = arith.constant 1 : i32
      %swap3A_1258 = arith.index_cast %swap3A_1257 : i32 to index
      %swap3A_1259 = arith.index_cast %scan3A_121 : i32 to index
      %swap3A_1260 = arith.constant 800 : index
      %swap3A_1261 = tpu.vector_load %arg6[%swap3A_1258, %swap3A_1259, %swap3A_1260] {strides = array<i32>} : memref<2x20x1000xf32, #tpu.memory_space<vmem>>, vector<16xf32>,
      tpu.vector_store %arg6[%swap3A_1258, %swap3A_1259, %swap3A_1260], %broadcast_in_dim3A_5 {strides = array<i32>} : memref<2x20x1000xf32, #tpu.memory_space<vmem>>, vector<16xf32>,
      %swap3A_1262 = arith.constant 1 : i32
      %swap3A_1263 = arith.index_cast %swap3A_1262 : i32 to index
      %swap3A_1264 = arith.index_cast %scan3A_121 : i32 to index
      %swap3A_1265 = arith.constant 816 : index
      %swap3A_1266 = tpu.vector_load %arg5[%swap3A_1263, %swap3A_1264, %swap3A_1265] {strides = array<i32>} : memref<2x20x1000xf32, #tpu.memory_space<vmem>>, vector<16xf32>,
      tpu.vector_store %arg5[%swap3A_1263, %swap3A_1264, %swap3A_1265], %broadcast_in_dim3A_5 {strides = array<i32>} : memref<2x20x1000xf32, #tpu.memory_space<vmem>>, vector<16xf32>,
      %swap3A_1267 = arith.constant 1 : i32
      %swap3A_1268 = arith.index_cast %swap3A_1267 : i32 to index
      %swap3A_1269 = arith.index_cast %scan3A_121 : i32 to index
      %swap3A_1270 = arith.constant 816 : index
      %swap3A_1271 = tpu.vector_load %arg6[%swap3A_1268, %swap3A_1269, %swap3A_1270] {strides = array<i32>} : memref<2x20x1000xf32, #tpu.memory_space<vmem>>, vector<16xf32>,
      tpu.vector_store %arg6[%swap3A_1268, %swap3A_1269, %swap3A_1270], %broadcast_in_dim3A_5 {strides = array<i32>} : memref<2x20x1000xf32, #tpu.memory_space<vmem>>, vector<16xf32>,
      %swap3A_1272 = arith.constant 1 : i32
      %swap3A_1273 = arith.index_cast %swap3A_1272 : i32 to index
      %swap3A_1274 = arith.index_cast %scan3A_121 : i32 to index
      %swap3A_1275 = arith.constant 832 : index
      %swap3A_1276 = tpu.vector_load %arg5[%swap3A_1273, %swap3A_1274, %swap3A_1275] {strides = array<i32>} : memref<2x20x1000xf32, #tpu.memory_space<vmem>>, vector<16xf32>,
      tpu.vector_store %arg5[%swap3A_1273, %swap3A_1274, %swap3A_1275], %broadcast_in_dim3A_5 {strides = array<i32>} : memref<2x20x1000xf32, #tpu.memory_space<vmem>>, vector<16xf32>,
      %swap3A_1277 = arith.constant 1 : i32
      %swap3A_1278 = arith.index_cast %swap3A_1277 : i32 to index
      %swap3A_1279 = arith.index_cast %scan3A_121 : i32 to index
      %swap3A_1280 = arith.constant 832 : index
      %swap3A_1281 = tpu.vector_load %arg6[%swap3A_1278, %swap3A_1279, %swap3A_1280] {strides = array<i32>} : memref<2x20x1000xf32, #tpu.memory_space<vmem>>, vector<16xf32>,
      tpu.vector_store %arg6[%swap3A_1278, %swap3A_1279, %swap3A_1280], %broadcast_in_dim3A_5 {strides = array<i32>} : memref<2x20x1000xf32, #tpu.memory_space<vmem>>, vector<16xf32>,
      %swap3A_1282 = arith.constant 1 : i32
      %swap3A_1283 = arith.index_cast %swap3A_1282 : i32 to index
      %swap3A_1284 = arith.index_cast %scan3A_121 : i32 to index
      %swap3A_1285 = arith.constant 848 : index
      %swap3A_1286 = tpu.vector_load %arg5[%swap3A_1283, %swap3A_1284, %swap3A_1285] {strides = array<i32>} : memref<2x20x1000xf32, #tpu.memory_space<vmem>>, vector<16xf32>,
      tpu.vector_store %arg5[%swap3A_1283, %swap3A_1284, %swap3A_1285], %broadcast_in_dim3A_5 {strides = array<i32>} : memref<2x20x1000xf32, #tpu.memory_space<vmem>>, vector<16xf32>,
      %swap3A_1287 = arith.constant 1 : i32
      %swap3A_1288 = arith.index_cast %swap3A_1287 : i32 to index
      %swap3A_1289 = arith.index_cast %scan3A_121 : i32 to index
      %swap3A_1290 = arith.constant 848 : index
      %swap3A_1291 = tpu.vector_load %arg6[%swap3A_1288, %swap3A_1289, %swap3A_1290] {strides = array<i32>} : memref<2x20x1000xf32, #tpu.memory_space<vmem>>, vector<16xf32>,
      tpu.vector_store %arg6[%swap3A_1288, %swap3A_1289, %swap3A_1290], %broadcast_in_dim3A_5 {strides = array<i32>} : memref<2x20x1000xf32, #tpu.memory_space<vmem>>, vector<16xf32>,
      %swap3A_1292 = arith.constant 1 : i32
      %swap3A_1293 = arith.index_cast %swap3A_1292 : i32 to index
      %swap3A_1294 = arith.index_cast %scan3A_121 : i32 to index
      %swap3A_1295 = arith.constant 864 : index
      %swap3A_1296 = tpu.vector_load %arg5[%swap3A_1293, %swap3A_1294, %swap3A_1295] {strides = array<i32>} : memref<2x20x1000xf32, #tpu.memory_space<vmem>>, vector<16xf32>,
      tpu.vector_store %arg5[%swap3A_1293, %swap3A_1294, %swap3A_1295], %broadcast_in_dim3A_5 {strides = array<i32>} : memref<2x20x1000xf32, #tpu.memory_space<vmem>>, vector<16xf32>,
      %swap3A_1297 = arith.constant 1 : i32
      %swap3A_1298 = arith.index_cast %swap3A_1297 : i32 to index
      %swap3A_1299 = arith.index_cast %scan3A_121 : i32 to index
      %swap3A_1300 = arith.constant 864 : index
      %swap3A_1301 = tpu.vector_load %arg6[%swap3A_1298, %swap3A_1299, %swap3A_1300] {strides = array<i32>} : memref<2x20x1000xf32, #tpu.memory_space<vmem>>, vector<16xf32>,
      tpu.vector_store %arg6[%swap3A_1298, %swap3A_1299, %swap3A_1300], %broadcast_in_dim3A_5 {strides = array<i32>} : memref<2x20x1000xf32, #tpu.memory_space<vmem>>, vector<16xf32>,
      %swap3A_1302 = arith.constant 1 : i32
      %swap3A_1303 = arith.index_cast %swap3A_1302 : i32 to index
      %swap3A_1304 = arith.index_cast %scan3A_121 : i32 to index
      %swap3A_1305 = arith.constant 880 : index
      %swap3A_1306 = tpu.vector_load %arg5[%swap3A_1303, %swap3A_1304, %swap3A_1305] {strides = array<i32>} : memref<2x20x1000xf32, #tpu.memory_space<vmem>>, vector<16xf32>,
      tpu.vector_store %arg5[%swap3A_1303, %swap3A_1304, %swap3A_1305], %broadcast_in_dim3A_5 {strides = array<i32>} : memref<2x20x1000xf32, #tpu.memory_space<vmem>>, vector<16xf32>,
      %swap3A_1307 = arith.constant 1 : i32
      %swap3A_1308 = arith.index_cast %swap3A_1307 : i32 to index
      %swap3A_1309 = arith.index_cast %scan3A_121 : i32 to index
      %swap3A_1310 = arith.constant 880 : index
      %swap3A_1311 = tpu.vector_load %arg6[%swap3A_1308, %swap3A_1309, %swap3A_1310] {strides = array<i32>} : memref<2x20x1000xf32, #tpu.memory_space<vmem>>, vector<16xf32>,
      tpu.vector_store %arg6[%swap3A_1308, %swap3A_1309, %swap3A_1310], %broadcast_in_dim3A_5 {strides = array<i32>} : memref<2x20x1000xf32, #tpu.memory_space<vmem>>, vector<16xf32>,
      %swap3A_1312 = arith.constant 1 : i32
      %swap3A_1313 = arith.index_cast %swap3A_1312 : i32 to index
      %swap3A_1314 = arith.index_cast %scan3A_121 : i32 to index
      %swap3A_1315 = arith.constant 896 : index
      %swap3A_1316 = tpu.vector_load %arg5[%swap3A_1313, %swap3A_1314, %swap3A_1315] {strides = array<i32>} : memref<2x20x1000xf32, #tpu.memory_space<vmem>>, vector<16xf32>,
      tpu.vector_store %arg5[%swap3A_1313, %swap3A_1314, %swap3A_1315], %broadcast_in_dim3A_5 {strides = array<i32>} : memref<2x20x1000xf32, #tpu.memory_space<vmem>>, vector<16xf32>,
      %swap3A_1317 = arith.constant 1 : i32
      %swap3A_1318 = arith.index_cast %swap3A_1317 : i32 to index
      %swap3A_1319 = arith.index_cast %scan3A_121 : i32 to index
      %swap3A_1320 = arith.constant 896 : index
      %swap3A_1321 = tpu.vector_load %arg6[%swap3A_1318, %swap3A_1319, %swap3A_1320] {strides = array<i32>} : memref<2x20x1000xf32, #tpu.memory_space<vmem>>, vector<16xf32>,
      tpu.vector_store %arg6[%swap3A_1318, %swap3A_1319, %swap3A_1320], %broadcast_in_dim3A_5 {strides = array<i32>} : memref<2x20x1000xf32, #tpu.memory_space<vmem>>, vector<16xf32>,
      %swap3A_1322 = arith.constant 1 : i32
      %swap3A_1323 = arith.index_cast %swap3A_1322 : i32 to index
      %swap3A_1324 = arith.index_cast %scan3A_121 : i32 to index
      %swap3A_1325 = arith.constant 912 : index
      %swap3A_1326 = tpu.vector_load %arg5[%swap3A_1323, %swap3A_1324, %swap3A_1325] {strides = array<i32>} : memref<2x20x1000xf32, #tpu.memory_space<vmem>>, vector<16xf32>,
      tpu.vector_store %arg5[%swap3A_1323, %swap3A_1324, %swap3A_1325], %broadcast_in_dim3A_5 {strides = array<i32>} : memref<2x20x1000xf32, #tpu.memory_space<vmem>>, vector<16xf32>,
      %swap3A_1327 = arith.constant 1 : i32
      %swap3A_1328 = arith.index_cast %swap3A_1327 : i32 to index
      %swap3A_1329 = arith.index_cast %scan3A_121 : i32 to index
      %swap3A_1330 = arith.constant 912 : index
      %swap3A_1331 = tpu.vector_load %arg6[%swap3A_1328, %swap3A_1329, %swap3A_1330] {strides = array<i32>} : memref<2x20x1000xf32, #tpu.memory_space<vmem>>, vector<16xf32>,
      tpu.vector_store %arg6[%swap3A_1328, %swap3A_1329, %swap3A_1330], %broadcast_in_dim3A_5 {strides = array<i32>} : memref<2x20x1000xf32, #tpu.memory_space<vmem>>, vector<16xf32>,
      %swap3A_1332 = arith.constant 1 : i32
      %swap3A_1333 = arith.index_cast %swap3A_1332 : i32 to index
      %swap3A_1334 = arith.index_cast %scan3A_121 : i32 to index
      %swap3A_1335 = arith.constant 928 : index
      %swap3A_1336 = tpu.vector_load %arg5[%swap3A_1333, %swap3A_1334, %swap3A_1335] {strides = array<i32>} : memref<2x20x1000xf32, #tpu.memory_space<vmem>>, vector<16xf32>,
      tpu.vector_store %arg5[%swap3A_1333, %swap3A_1334, %swap3A_1335], %broadcast_in_dim3A_5 {strides = array<i32>} : memref<2x20x1000xf32, #tpu.memory_space<vmem>>, vector<16xf32>,
      %swap3A_1337 = arith.constant 1 : i32
      %swap3A_1338 = arith.index_cast %swap3A_1337 : i32 to index
      %swap3A_1339 = arith.index_cast %scan3A_121 : i32 to index
      %swap3A_1340 = arith.constant 928 : index
      %swap3A_1341 = tpu.vector_load %arg6[%swap3A_1338, %swap3A_1339, %swap3A_1340] {strides = array<i32>} : memref<2x20x1000xf32, #tpu.memory_space<vmem>>, vector<16xf32>,
      tpu.vector_store %arg6[%swap3A_1338, %swap3A_1339, %swap3A_1340], %broadcast_in_dim3A_5 {strides = array<i32>} : memref<2x20x1000xf32, #tpu.memory_space<vmem>>, vector<16xf32>,
      %swap3A_1342 = arith.constant 1 : i32
      %swap3A_1343 = arith.index_cast %swap3A_1342 : i32 to index
      %swap3A_1344 = arith.index_cast %scan3A_121 : i32 to index
      %swap3A_1345 = arith.constant 944 : index
      %swap3A_1346 = tpu.vector_load %arg5[%swap3A_1343, %swap3A_1344, %swap3A_1345] {strides = array<i32>} : memref<2x20x1000xf32, #tpu.memory_space<vmem>>, vector<16xf32>,
      tpu.vector_store %arg5[%swap3A_1343, %swap3A_1344, %swap3A_1345], %broadcast_in_dim3A_5 {strides = array<i32>} : memref<2x20x1000xf32, #tpu.memory_space<vmem>>, vector<16xf32>,
      %swap3A_1347 = arith.constant 1 : i32
      %swap3A_1348 = arith.index_cast %swap3A_1347 : i32 to index
      %swap3A_1349 = arith.index_cast %scan3A_121 : i32 to index
      %swap3A_1350 = arith.constant 944 : index
      %swap3A_1351 = tpu.vector_load %arg6[%swap3A_1348, %swap3A_1349, %swap3A_1350] {strides = array<i32>} : memref<2x20x1000xf32, #tpu.memory_space<vmem>>, vector<16xf32>,
      tpu.vector_store %arg6[%swap3A_1348, %swap3A_1349, %swap3A_1350], %broadcast_in_dim3A_5 {strides = array<i32>} : memref<2x20x1000xf32, #tpu.memory_space<vmem>>, vector<16xf32>,
      %swap3A_1352 = arith.constant 1 : i32
      %swap3A_1353 = arith.index_cast %swap3A_1352 : i32 to index
      %swap3A_1354 = arith.index_cast %scan3A_121 : i32 to index
      %swap3A_1355 = arith.constant 960 : index
      %swap3A_1356 = tpu.vector_load %arg5[%swap3A_1353, %swap3A_1354, %swap3A_1355] {strides = array<i32>} : memref<2x20x1000xf32, #tpu.memory_space<vmem>>, vector<16xf32>,
      tpu.vector_store %arg5[%swap3A_1353, %swap3A_1354, %swap3A_1355], %broadcast_in_dim3A_5 {strides = array<i32>} : memref<2x20x1000xf32, #tpu.memory_space<vmem>>, vector<16xf32>,
      %swap3A_1357 = arith.constant 1 : i32
      %swap3A_1358 = arith.index_cast %swap3A_1357 : i32 to index
      %swap3A_1359 = arith.index_cast %scan3A_121 : i32 to index
      %swap3A_1360 = arith.constant 960 : index
      %swap3A_1361 = tpu.vector_load %arg6[%swap3A_1358, %swap3A_1359, %swap3A_1360] {strides = array<i32>} : memref<2x20x1000xf32, #tpu.memory_space<vmem>>, vector<16xf32>,
      tpu.vector_store %arg6[%swap3A_1358, %swap3A_1359, %swap3A_1360], %broadcast_in_dim3A_5 {strides = array<i32>} : memref<2x20x1000xf32, #tpu.memory_space<vmem>>, vector<16xf32>,
      %swap3A_1362 = arith.constant 1 : i32
      %swap3A_1363 = arith.index_cast %swap3A_1362 : i32 to index
      %swap3A_1364 = arith.index_cast %scan3A_121 : i32 to index
      %swap3A_1365 = arith.constant 976 : index
      %swap3A_1366 = tpu.vector_load %arg5[%swap3A_1363, %swap3A_1364, %swap3A_1365] {strides = array<i32>} : memref<2x20x1000xf32, #tpu.memory_space<vmem>>, vector<16xf32>,
      tpu.vector_store %arg5[%swap3A_1363, %swap3A_1364, %swap3A_1365], %broadcast_in_dim3A_5 {strides = array<i32>} : memref<2x20x1000xf32, #tpu.memory_space<vmem>>, vector<16xf32>,
      %swap3A_1367 = arith.constant 1 : i32
      %swap3A_1368 = arith.index_cast %swap3A_1367 : i32 to index
      %swap3A_1369 = arith.index_cast %scan3A_121 : i32 to index
      %swap3A_1370 = arith.constant 976 : index
      %swap3A_1371 = tpu.vector_load %arg6[%swap3A_1368, %swap3A_1369, %swap3A_1370] {strides = array<i32>} : memref<2x20x1000xf32, #tpu.memory_space<vmem>>, vector<16xf32>,
      tpu.vector_store %arg6[%swap3A_1368, %swap3A_1369, %swap3A_1370], %broadcast_in_dim3A_5 {strides = array<i32>} : memref<2x20x1000xf32, #tpu.memory_space<vmem>>, vector<16xf32>,
      %swap3A_1372 = arith.constant 1 : i32
      %swap3A_1373 = arith.index_cast %swap3A_1372 : i32 to index
      %swap3A_1374 = arith.index_cast %scan3A_121 : i32 to index
      %swap3A_1375 = arith.constant 984 : index
      %swap3A_1376 = tpu.vector_load %arg5[%swap3A_1373, %swap3A_1374, %swap3A_1375] {strides = array<i32>} : memref<2x20x1000xf32, #tpu.memory_space<vmem>>, vector<16xf32>,
      tpu.vector_store %arg5[%swap3A_1373, %swap3A_1374, %swap3A_1375], %broadcast_in_dim3A_5 {strides = array<i32>} : memref<2x20x1000xf32, #tpu.memory_space<vmem>>, vector<16xf32>,
      %swap3A_1377 = arith.constant 1 : i32
      %swap3A_1378 = arith.index_cast %swap3A_1377 : i32 to index
      %swap3A_1379 = arith.index_cast %scan3A_121 : i32 to index
      %swap3A_1380 = arith.constant 984 : index
      %swap3A_1381 = tpu.vector_load %arg6[%swap3A_1378, %swap3A_1379, %swap3A_1380] {strides = array<i32>} : memref<2x20x1000xf32, #tpu.memory_space<vmem>>, vector<16xf32>,
      tpu.vector_store %arg6[%swap3A_1378, %swap3A_1379, %swap3A_1380], %broadcast_in_dim3A_5 {strides = array<i32>} : memref<2x20x1000xf32, #tpu.memory_space<vmem>>, vector<16xf32>,
    }
    %scan3A_99 = arith.constant 20 : i32
    %scan3A_100 = arith.constant 0 : i32
    %scan3A_101 = arith.constant 0 : i32
    %scan3A_102 = arith.constant 32 : i32
    %scan3A_103 = arith.addi %scan3A_101, %scan3A_102 : i32
    %scan3A_104 = arith.constant 1 : i32
    scf.for %scan3A_121 = %scan3A_101 to %scan3A_103 step %scan3A_104  : i32 {
      %mul3A_122 = arith.constant 2 : i32
      %mul3A_123 = arith.muli %scan3A_121, %mul3A_122 : i32
      %add3A_124 = arith.constant 0 : i32
      %add3A_125 = arith.addi %mul3A_123, %add3A_124 : i32
      %ge3A_126 = arith.constant 2 : i32
      %ge3A_127 = arith.cmpi sge, %add3A_125, %ge3A_126 : i32
      %convert_element_type3A = arith.extui %ge3A_127 : i1 to i32
      %cond3A = arith.constant 0 : i32
      %cond3A_128 = arith.cmpi ne, %convert_element_type3A, %cond3A : i32
      scf.if %cond3A_128 {
        %sub3A_208 = arith.constant 2 : i32
        %sub3A_209 = arith.subi %add3A_125, %sub3A_208 : i32
        %mul3A_210 = arith.constant 2 : i32
        %mul3A_211 = arith.muli %sub3A_209, %mul3A_210 : i32
        %add3A_212 = arith.addi %mul3A_2, %mul3A_211 : i32
        %dma_wait3A_213 = arith.constant 0 : i32
        %dma_wait3A_214 = arith.constant 0 : i32
        %dma_wait3A_215 = tpu.memref_slice %arg3[%add3A_212, %dma_wait3A_213, %dma_wait3A_214] : memref<4096x20x1000xf32, #tpu.memory_space<hbm>> -> memref<2x20x1000xf32, #tpu.memory_space<hbm>>
        %dma_wait3A_216 = arith.constant 0 : i32
        %dma_wait3A_217 = arith.constant 0 : i32
        %dma_wait3A_218 = tpu.memref_slice %arg3[%add3A_212, %dma_wait3A_216, %dma_wait3A_217] : memref<4096x20x1000xf32, #tpu.memory_space<hbm>> -> memref<2x20x1000xf32, #tpu.memory_space<hbm>>
        tpu.wait_dma2 semaphore(%arg7 : memref<!tpu.dma_semaphore, #tpu.memory_space<semaphore_mem>>) src(%arg5 : memref<2x20x1000xf32, #tpu.memory_space<vmem>>) dst(%dma_wait3A_218 : memref<2x20x1000xf32, #tpu.memory_space<hbm>>)
        %sub3A_219 = arith.constant 2 : i32
        %sub3A_220 = arith.subi %add3A_125, %sub3A_219 : i32
        %mul3A_221 = arith.constant 40 : i32
        %mul3A_222 = arith.muli %sub3A_220, %mul3A_221 : i32
        %add3A_223 = arith.constant 0 : i32
        %add3A_224 = arith.addi %mul3A_222, %add3A_223 : i32
        %get3A_225 = arith.index_cast %add3A_224 : i32 to index
        %get3A_226 = tpu.vector_load %arg4[%get3A_225] {strides = array<i32>} : memref<2576xi32, #tpu.memory_space<vmem>>, vector<16xi32>,
        %min3A_227 = arith.constant 999 : i32
        %min3A_228 = vector.broadcast %min3A_227 : i32 to vector<16xi32>
        %min3A_229 = arith.minsi %get3A_226, %min3A_228 : vector<16xi32>
        tpu.vector_store_idx %arg5[%min3A_24, %sub3A, %min3A_229], %broadcast_in_dim3A_5 masked %lt3A_29 : memref<2x20x1000xf32, #tpu.memory_space<vmem>>[vector<16xi32>, vector<16xi32>, vector<16xi32>], vector<16xf32>, vector<16xi1>
        %mul3A_230 = arith.constant 40 : i32
        %mul3A_231 = arith.muli %sub3A_220, %mul3A_230 : i32
        %add3A_232 = arith.constant 16 : i32
        %add3A_233 = arith.addi %mul3A_231, %add3A_232 : i32
        %get3A_234 = arith.index_cast %add3A_233 : i32 to index
        %get3A_235 = tpu.vector_load %arg4[%get3A_234] {strides = array<i32>} : memref<2576xi32, #tpu.memory_space<vmem>>, vector<16xi32>,
        %min3A_236 = arith.constant 999 : i32
        %min3A_237 = vector.broadcast %min3A_236 : i32 to vector<16xi32>
        %min3A_238 = arith.minsi %get3A_235, %min3A_237 : vector<16xi32>
        tpu.vector_store_idx %arg5[%min3A_52, %sub3A_56, %min3A_238], %broadcast_in_dim3A_5 masked %lt3A_59 : memref<2x20x1000xf32, #tpu.memory_space<vmem>>[vector<16xi32>, vector<16xi32>, vector<16xi32>], vector<16xf32>, vector<16xi1>
        %mul3A_239 = arith.constant 40 : i32
        %mul3A_240 = arith.muli %sub3A_220, %mul3A_239 : i32
        %add3A_241 = arith.constant 32 : i32
        %add3A_242 = arith.addi %mul3A_240, %add3A_241 : i32
        %get3A_243 = arith.index_cast %add3A_242 : i32 to index
        %get3A_244 = tpu.vector_load %arg4[%get3A_243] {strides = array<i32>} : memref<2576xi32, #tpu.memory_space<vmem>>, vector<16xi32>,
        %min3A_245 = arith.constant 999 : i32
        %min3A_246 = vector.broadcast %min3A_245 : i32 to vector<16xi32>
        %min3A_247 = arith.minsi %get3A_244, %min3A_246 : vector<16xi32>
        tpu.vector_store_idx %arg5[%min3A_82, %sub3A_86, %min3A_247], %broadcast_in_dim3A_5 masked %lt3A_89 : memref<2x20x1000xf32, #tpu.memory_space<vmem>>[vector<16xi32>, vector<16xi32>, vector<16xi32>], vector<16xf32>, vector<16xi1>
      } else {
      }
      %mul3A_129 = arith.constant 40 : i32
      %mul3A_130 = arith.muli %add3A_125, %mul3A_129 : i32
      %add3A_131 = arith.constant 0 : i32
      %add3A_132 = arith.addi %mul3A_130, %add3A_131 : i32
      %get3A = arith.index_cast %add3A_132 : i32 to index
      %get3A_133 = tpu.vector_load %arg4[%get3A] {strides = array<i32>} : memref<2576xi32, #tpu.memory_space<vmem>>, vector<16xi32>,
      %min3A_134 = arith.constant 999 : i32
      %min3A_135 = vector.broadcast %min3A_134 : i32 to vector<16xi32>
      %min3A_136 = arith.minsi %get3A_133, %min3A_135 : vector<16xi32>
      tpu.vector_store_idx %arg5[%min3A_24, %sub3A, %min3A_136], %broadcast_in_dim3A_3 masked %lt3A_29 : memref<2x20x1000xf32, #tpu.memory_space<vmem>>[vector<16xi32>, vector<16xi32>, vector<16xi32>], vector<16xf32>, vector<16xi1>
      %mul3A_137 = arith.constant 40 : i32
      %mul3A_138 = arith.muli %add3A_125, %mul3A_137 : i32
      %add3A_139 = arith.constant 16 : i32
      %add3A_140 = arith.addi %mul3A_138, %add3A_139 : i32
      %get3A_141 = arith.index_cast %add3A_140 : i32 to index
      %get3A_142 = tpu.vector_load %arg4[%get3A_141] {strides = array<i32>} : memref<2576xi32, #tpu.memory_space<vmem>>, vector<16xi32>,
      %min3A_143 = arith.constant 999 : i32
      %min3A_144 = vector.broadcast %min3A_143 : i32 to vector<16xi32>
      %min3A_145 = arith.minsi %get3A_142, %min3A_144 : vector<16xi32>
      tpu.vector_store_idx %arg5[%min3A_52, %sub3A_56, %min3A_145], %broadcast_in_dim3A_3 masked %lt3A_59 : memref<2x20x1000xf32, #tpu.memory_space<vmem>>[vector<16xi32>, vector<16xi32>, vector<16xi32>], vector<16xf32>, vector<16xi1>
      %mul3A_146 = arith.constant 40 : i32
      %mul3A_147 = arith.muli %add3A_125, %mul3A_146 : i32
      %add3A_148 = arith.constant 32 : i32
      %add3A_149 = arith.addi %mul3A_147, %add3A_148 : i32
      %get3A_150 = arith.index_cast %add3A_149 : i32 to index
      %get3A_151 = tpu.vector_load %arg4[%get3A_150] {strides = array<i32>} : memref<2576xi32, #tpu.memory_space<vmem>>, vector<16xi32>,
      %min3A_152 = arith.constant 999 : i32
      %min3A_153 = vector.broadcast %min3A_152 : i32 to vector<16xi32>
      %min3A_154 = arith.minsi %get3A_151, %min3A_153 : vector<16xi32>
      tpu.vector_store_idx %arg5[%min3A_82, %sub3A_86, %min3A_154], %broadcast_in_dim3A_3 masked %lt3A_89 : memref<2x20x1000xf32, #tpu.memory_space<vmem>>[vector<16xi32>, vector<16xi32>, vector<16xi32>], vector<16xf32>, vector<16xi1>
      %mul3A_155 = arith.constant 2 : i32
      %mul3A_156 = arith.muli %add3A_125, %mul3A_155 : i32
      %add3A_157 = arith.addi %mul3A_2, %mul3A_156 : i32
      %dma_start3A = arith.constant 0 : i32
      %dma_start3A_158 = arith.constant 0 : i32
      %dma_start3A_159 = tpu.memref_slice %arg3[%add3A_157, %dma_start3A, %dma_start3A_158] : memref<4096x20x1000xf32, #tpu.memory_space<hbm>> -> memref<2x20x1000xf32, #tpu.memory_space<hbm>>
      %dma_start3A_160 = arith.constant 0 : i32
      %dma_start3A_161 = arith.constant 0 : i32
      %dma_start3A_162 = tpu.memref_slice %arg3[%add3A_157, %dma_start3A_160, %dma_start3A_161] : memref<4096x20x1000xf32, #tpu.memory_space<hbm>> -> memref<2x20x1000xf32, #tpu.memory_space<hbm>>
      tpu.enqueue_dma source(%arg5 : memref<2x20x1000xf32, #tpu.memory_space<vmem>>) target(%dma_start3A_162 : memref<2x20x1000xf32, #tpu.memory_space<hbm>>) target_semaphore(%arg7 : memref<!tpu.dma_semaphore, #tpu.memory_space<semaphore_mem>>)
      %mul3A_163 = arith.constant 2 : i32
      %mul3A_164 = arith.muli %scan3A_121, %mul3A_163 : i32
      %add3A_165 = arith.constant 1 : i32
      %add3A_166 = arith.addi %mul3A_164, %add3A_165 : i32
      %ge3A_167 = arith.constant 2 : i32
      %ge3A_168 = arith.cmpi sge, %add3A_166, %ge3A_167 : i32
      %convert_element_type3A_169 = arith.extui %ge3A_168 : i1 to i32
      %cond3A_170 = arith.constant 0 : i32
      %cond3A_171 = arith.cmpi ne, %convert_element_type3A_169, %cond3A_170 : i32
      scf.if %cond3A_171 {
        %sub3A_208 = arith.constant 2 : i32
        %sub3A_209 = arith.subi %add3A_166, %sub3A_208 : i32
        %mul3A_210 = arith.constant 2 : i32
        %mul3A_211 = arith.muli %sub3A_209, %mul3A_210 : i32
        %add3A_212 = arith.addi %mul3A_2, %mul3A_211 : i32
        %dma_wait3A_213 = arith.constant 0 : i32
        %dma_wait3A_214 = arith.constant 0 : i32
        %dma_wait3A_215 = tpu.memref_slice %arg3[%add3A_212, %dma_wait3A_213, %dma_wait3A_214] : memref<4096x20x1000xf32, #tpu.memory_space<hbm>> -> memref<2x20x1000xf32, #tpu.memory_space<hbm>>
        %dma_wait3A_216 = arith.constant 0 : i32
        %dma_wait3A_217 = arith.constant 0 : i32
        %dma_wait3A_218 = tpu.memref_slice %arg3[%add3A_212, %dma_wait3A_216, %dma_wait3A_217] : memref<4096x20x1000xf32, #tpu.memory_space<hbm>> -> memref<2x20x1000xf32, #tpu.memory_space<hbm>>
        tpu.wait_dma2 semaphore(%arg8 : memref<!tpu.dma_semaphore, #tpu.memory_space<semaphore_mem>>) src(%arg6 : memref<2x20x1000xf32, #tpu.memory_space<vmem>>) dst(%dma_wait3A_218 : memref<2x20x1000xf32, #tpu.memory_space<hbm>>)
        %sub3A_219 = arith.constant 2 : i32
        %sub3A_220 = arith.subi %add3A_166, %sub3A_219 : i32
        %mul3A_221 = arith.constant 40 : i32
        %mul3A_222 = arith.muli %sub3A_220, %mul3A_221 : i32
        %add3A_223 = arith.constant 0 : i32
        %add3A_224 = arith.addi %mul3A_222, %add3A_223 : i32
        %get3A_225 = arith.index_cast %add3A_224 : i32 to index
        %get3A_226 = tpu.vector_load %arg4[%get3A_225] {strides = array<i32>} : memref<2576xi32, #tpu.memory_space<vmem>>, vector<16xi32>,
        %min3A_227 = arith.constant 999 : i32
        %min3A_228 = vector.broadcast %min3A_227 : i32 to vector<16xi32>
        %min3A_229 = arith.minsi %get3A_226, %min3A_228 : vector<16xi32>
        tpu.vector_store_idx %arg6[%min3A_24, %sub3A, %min3A_229], %broadcast_in_dim3A_5 masked %lt3A_29 : memref<2x20x1000xf32, #tpu.memory_space<vmem>>[vector<16xi32>, vector<16xi32>, vector<16xi32>], vector<16xf32>, vector<16xi1>
        %mul3A_230 = arith.constant 40 : i32
        %mul3A_231 = arith.muli %sub3A_220, %mul3A_230 : i32
        %add3A_232 = arith.constant 16 : i32
        %add3A_233 = arith.addi %mul3A_231, %add3A_232 : i32
        %get3A_234 = arith.index_cast %add3A_233 : i32 to index
        %get3A_235 = tpu.vector_load %arg4[%get3A_234] {strides = array<i32>} : memref<2576xi32, #tpu.memory_space<vmem>>, vector<16xi32>,
        %min3A_236 = arith.constant 999 : i32
        %min3A_237 = vector.broadcast %min3A_236 : i32 to vector<16xi32>
        %min3A_238 = arith.minsi %get3A_235, %min3A_237 : vector<16xi32>
        tpu.vector_store_idx %arg6[%min3A_52, %sub3A_56, %min3A_238], %broadcast_in_dim3A_5 masked %lt3A_59 : memref<2x20x1000xf32, #tpu.memory_space<vmem>>[vector<16xi32>, vector<16xi32>, vector<16xi32>], vector<16xf32>, vector<16xi1>
        %mul3A_239 = arith.constant 40 : i32
        %mul3A_240 = arith.muli %sub3A_220, %mul3A_239 : i32
        %add3A_241 = arith.constant 32 : i32
        %add3A_242 = arith.addi %mul3A_240, %add3A_241 : i32
        %get3A_243 = arith.index_cast %add3A_242 : i32 to index
        %get3A_244 = tpu.vector_load %arg4[%get3A_243] {strides = array<i32>} : memref<2576xi32, #tpu.memory_space<vmem>>, vector<16xi32>,
        %min3A_245 = arith.constant 999 : i32
        %min3A_246 = vector.broadcast %min3A_245 : i32 to vector<16xi32>
        %min3A_247 = arith.minsi %get3A_244, %min3A_246 : vector<16xi32>
        tpu.vector_store_idx %arg6[%min3A_82, %sub3A_86, %min3A_247], %broadcast_in_dim3A_5 masked %lt3A_89 : memref<2x20x1000xf32, #tpu.memory_space<vmem>>[vector<16xi32>, vector<16xi32>, vector<16xi32>], vector<16xf32>, vector<16xi1>
      } else {
      }
      %mul3A_172 = arith.constant 40 : i32
      %mul3A_173 = arith.muli %add3A_166, %mul3A_172 : i32
      %add3A_174 = arith.constant 0 : i32
      %add3A_175 = arith.addi %mul3A_173, %add3A_174 : i32
      %get3A_176 = arith.index_cast %add3A_175 : i32 to index
      %get3A_177 = tpu.vector_load %arg4[%get3A_176] {strides = array<i32>} : memref<2576xi32, #tpu.memory_space<vmem>>, vector<16xi32>,
      %min3A_178 = arith.constant 999 : i32
      %min3A_179 = vector.broadcast %min3A_178 : i32 to vector<16xi32>
      %min3A_180 = arith.minsi %get3A_177, %min3A_179 : vector<16xi32>
      tpu.vector_store_idx %arg6[%min3A_24, %sub3A, %min3A_180], %broadcast_in_dim3A_3 masked %lt3A_29 : memref<2x20x1000xf32, #tpu.memory_space<vmem>>[vector<16xi32>, vector<16xi32>, vector<16xi32>], vector<16xf32>, vector<16xi1>
      %mul3A_181 = arith.constant 40 : i32
      %mul3A_182 = arith.muli %add3A_166, %mul3A_181 : i32
      %add3A_183 = arith.constant 16 : i32
      %add3A_184 = arith.addi %mul3A_182, %add3A_183 : i32
      %get3A_185 = arith.index_cast %add3A_184 : i32 to index
      %get3A_186 = tpu.vector_load %arg4[%get3A_185] {strides = array<i32>} : memref<2576xi32, #tpu.memory_space<vmem>>, vector<16xi32>,
      %min3A_187 = arith.constant 999 : i32
      %min3A_188 = vector.broadcast %min3A_187 : i32 to vector<16xi32>
      %min3A_189 = arith.minsi %get3A_186, %min3A_188 : vector<16xi32>
      tpu.vector_store_idx %arg6[%min3A_52, %sub3A_56, %min3A_189], %broadcast_in_dim3A_3 masked %lt3A_59 : memref<2x20x1000xf32, #tpu.memory_space<vmem>>[vector<16xi32>, vector<16xi32>, vector<16xi32>], vector<16xf32>, vector<16xi1>
      %mul3A_190 = arith.constant 40 : i32
      %mul3A_191 = arith.muli %add3A_166, %mul3A_190 : i32
      %add3A_192 = arith.constant 32 : i32
      %add3A_193 = arith.addi %mul3A_191, %add3A_192 : i32
      %get3A_194 = arith.index_cast %add3A_193 : i32 to index
      %get3A_195 = tpu.vector_load %arg4[%get3A_194] {strides = array<i32>} : memref<2576xi32, #tpu.memory_space<vmem>>, vector<16xi32>,
      %min3A_196 = arith.constant 999 : i32
      %min3A_197 = vector.broadcast %min3A_196 : i32 to vector<16xi32>
      %min3A_198 = arith.minsi %get3A_195, %min3A_197 : vector<16xi32>
      tpu.vector_store_idx %arg6[%min3A_82, %sub3A_86, %min3A_198], %broadcast_in_dim3A_3 masked %lt3A_89 : memref<2x20x1000xf32, #tpu.memory_space<vmem>>[vector<16xi32>, vector<16xi32>, vector<16xi32>], vector<16xf32>, vector<16xi1>
      %mul3A_199 = arith.constant 2 : i32
      %mul3A_200 = arith.muli %add3A_166, %mul3A_199 : i32
      %add3A_201 = arith.addi %mul3A_2, %mul3A_200 : i32
      %dma_start3A_202 = arith.constant 0 : i32
      %dma_start3A_203 = arith.constant 0 : i32
      %dma_start3A_204 = tpu.memref_slice %arg3[%add3A_201, %dma_start3A_202, %dma_start3A_203] : memref<4096x20x1000xf32, #tpu.memory_space<hbm>> -> memref<2x20x1000xf32, #tpu.memory_space<hbm>>
      %dma_start3A_205 = arith.constant 0 : i32
      %dma_start3A_206 = arith.constant 0 : i32
      %dma_start3A_207 = tpu.memref_slice %arg3[%add3A_201, %dma_start3A_205, %dma_start3A_206] : memref<4096x20x1000xf32, #tpu.memory_space<hbm>> -> memref<2x20x1000xf32, #tpu.memory_space<hbm>>
      tpu.enqueue_dma source(%arg6 : memref<2x20x1000xf32, #tpu.memory_space<vmem>>) target(%dma_start3A_207 : memref<2x20x1000xf32, #tpu.memory_space<hbm>>) target_semaphore(%arg8 : memref<!tpu.dma_semaphore, #tpu.memory_space<semaphore_mem>>)
    }
    %scan3A_105 = arith.constant 32 : i32
    %add3A_106 = arith.constant 124 : i32
    %add3A_107 = arith.addi %mul3A_2, %add3A_106 : i32
    %dma_wait3A = arith.constant 0 : i32
    %dma_wait3A_108 = arith.constant 0 : i32
    %dma_wait3A_109 = tpu.memref_slice %arg3[%add3A_107, %dma_wait3A, %dma_wait3A_108] : memref<4096x20x1000xf32, #tpu.memory_space<hbm>> -> memref<2x20x1000xf32, #tpu.memory_space<hbm>>
    %dma_wait3A_110 = arith.constant 0 : i32
    %dma_wait3A_111 = arith.constant 0 : i32
    %dma_wait3A_112 = tpu.memref_slice %arg3[%add3A_107, %dma_wait3A_110, %dma_wait3A_111] : memref<4096x20x1000xf32, #tpu.memory_space<hbm>> -> memref<2x20x1000xf32, #tpu.memory_space<hbm>>
    tpu.wait_dma2 semaphore(%arg7 : memref<!tpu.dma_semaphore, #tpu.memory_space<semaphore_mem>>) src(%arg5 : memref<2x20x1000xf32, #tpu.memory_space<vmem>>) dst(%dma_wait3A_112 : memref<2x20x1000xf32, #tpu.memory_space<hbm>>)
    %add3A_113 = arith.constant 126 : i32
    %add3A_114 = arith.addi %mul3A_2, %add3A_113 : i32
    %dma_wait3A_115 = arith.constant 0 : i32
    %dma_wait3A_116 = arith.constant 0 : i32
    %dma_wait3A_117 = tpu.memref_slice %arg3[%add3A_114, %dma_wait3A_115, %dma_wait3A_116] : memref<4096x20x1000xf32, #tpu.memory_space<hbm>> -> memref<2x20x1000xf32, #tpu.memory_space<hbm>>
    %dma_wait3A_118 = arith.constant 0 : i32
    %dma_wait3A_119 = arith.constant 0 : i32
    %dma_wait3A_120 = tpu.memref_slice %arg3[%add3A_114, %dma_wait3A_118, %dma_wait3A_119] : memref<4096x20x1000xf32, #tpu.memory_space<hbm>> -> memref<2x20x1000xf32, #tpu.memory_space<hbm>>
    tpu.wait_dma2 semaphore(%arg8 : memref<!tpu.dma_semaphore, #tpu.memory_space<semaphore_mem>>) src(%arg6 : memref<2x20x1000xf32, #tpu.memory_space<vmem>>) dst(%dma_wait3A_120 : memref<2x20x1000xf32, #tpu.memory_space<hbm>>)
    return
  }
}

</mosaic_0001>

<sc_bundles>
// kernel: kernel.3.cloned.1.call-start
scs
__scs_entry_jumppad:
0x0: {  	(pc) =	sbr.rel $0x88, $3  }
0x1: {  	(tag) =	ssettag $0x0;
	lr =	simm.s32 $0x1  }
0x2: {  	[smem:$0x3FA0] =	sst lr;
	_ =	strace $0xD0000000  }
0x3: {  	_ = 	snop  }
0x4: {  	_ = 	snop  }
0x5: {  	_ = 	snop  }
0x6: {  	_ = 	snop  }
0x7: {  	_ = 	snop  }
__scs_overlays_trampoline_lowered:
0x8: {  	[smem:$0x3FAF] =	sst s0  }
0x9: {  	[smem:$0x3FB0] =	sst s1  }
0xa: {  	[smem:$0x3FB1] =	sst s2  }
0xb: {  	[smem:$0x3FB2] =	sst s3  }
0xc: {  	[smem:$0x3FB3] =	sst s4  }
0xd: {  	[smem:$0x3FB4] =	sst s5  }
0xe: {  	[smem:$0x3FB5] =	sst s6  }
0xf: {  	[smem:$0x3FB6] =	sst s7  }
0x10: {  	[smem:$0x3FB7] =	sst s8  }
0x11: {  	[smem:$0x3FB8] =	sst s9;
	s0 =	simm.s32 @!p0 $0x0  }
0x12: {  	s1 =	sld [smem:$0x3F9E];
	s0 =	simm.s32 @p0 $0x1  }
0x13: {  	[smem:$0x3FB9] =	sst s0;
	s0 =	simm.s32 @!p1 $0x0  }
0x14: {  	s2 =	sld [smem:$0x3F9D];
	s0 =	simm.s32 @p1 $0x1  }
0x15: {  	[smem:$0x3FBA] =	sst s0;
	s0 =	simm.s32 @!p2 $0x0  }
0x16: {  	s3 =	sld [smem:$0x3FDB];
	s0 =	simm.s32 @p2 $0x1  }
0x17: {  	s4 =	simm.s32 $0x1BF5;
	[smem:$0x3FBC] =	sst s0  }
0x18: {  	s0 =	sld [smem:$0x3F9F];
	_ =	swait.ge [sflag:s4], $0x0  }
0x19: {  	s7 =	sld [smem:$0x3FA0]  }
0x1a: {  	s8 =	sadd.s32 $0xFFFFE003, lr  }
0x1b: {  	s9 =	sadd.s32 $0xFFFFFEF7, lr;
	s5 =	simm.s32 $0xFFFFFFFF;
	p2 =	slt.u32 s8, $0xFFFFF086  }
0x1c: {  	p1 =	slt.u32 s9, $0xF7A;
	s5 =	simm.s32 @!p2 $0x0  }
0x1d: {  	s5 =	simm.s32 @p1 $0x1;
	p0 =	seq.s32 s7, s2  }
0x1e: {  	s7 =	smul.u32 @!p0 $0xF7A, s2;
	p2 =	seq.s32 @!p0 s5, $0x0  }
0x1f: {  	s9 =	smul.u32 $0xF7A, s1;
	s8 =	simm.s32 @!p0 $0x1BF5;
	p2 =	por !p2, p0  }
0x20: {  	[sflag:s8] =	ssyncset.s32 @!p0 $0xFFFFF086;
	s6 =	sadd.s32 @!p0 s3, s7;
	s7 =	simm.s32 @!p0 $0x108  }
0x21: {  	s3 =	sadd.s32 s3, s9;
	s6 =	sadd.s32 @!p0 $0x88, s6;
	s7 =	simm.s32 @p2 $0x1082  }
0x22: {  	[simem:s7], [sflag:s8] =	dma.local @!p0 [hbm:s6], $0xF7A  }
0x23: {  	s9 =	sor.u32 $0xD0000000, s2;
	s6 =	simm.s32 $0x108;
	_ =	swait.ge @!p0 [sflag:s8], $0x0  }
0x24: {  	s3 =	sadd.s32 $0x88, s3;
	s6 =	simm.s32 @!p1 $0x1082;
	[sflag:s4] =	ssyncset.s32 $0xFFFFF086  }
0x25: {  	[simem:s6], [sflag:s4] =	dma.local [hbm:s3], $0xF7A  }
0x26: {  	[smem:$0x3FA0] =	sst s1;
	(tag) =	ssettag s2;
	_ =	strace s9  }
0x27: {  	s1 =	sld [smem:$0x3FB0]  }
0x28: {  	s2 =	sld [smem:$0x3FB1]  }
0x29: {  	s4 =	sld [smem:$0x3FB3]  }
0x2a: {  	p0 =	seq.s32 s5, $0x0;
	s5 =	sld [smem:$0x3FB4]  }
0x2b: {  	s6 =	sld [smem:$0x3FB5]  }
0x2c: {  	s7 =	sld [smem:$0x3FB6]  }
0x2d: {  	s3 =	simm.s32 $0x108;
	s8 =	sld [smem:$0x3FB7]  }
0x2e: {  	s3 =	simm.s32 @!p0 $0x1082;
	s9 =	sld [smem:$0x3FB8]  }
0x2f: {  	lr =	sadd.s32 s0, s3;
	s0 =	sld [smem:$0x3FAF]  }
0x30: {  	s3 =	sld [smem:$0x3FB2]  }
0x31: {  	[smem:$0x3FBB] =	sst s10  }
0x32: {  	s10 =	sld [smem:$0x3FB9];
	_ =	sdelay $0x3  }
0x33: {  	p0 =	seq.s32 s10, $0x1;
	s10 =	sld [smem:$0x3FBB];
	_ =	sdelay $0x3  }
0x34: {  	[smem:$0x3FBB] =	sst s10  }
0x35: {  	s10 =	sld [smem:$0x3FBA];
	_ =	sdelay $0x3  }
0x36: {  	p1 =	seq.s32 s10, $0x1;
	s10 =	sld [smem:$0x3FBB];
	_ =	sdelay $0x3  }
0x37: {  	[smem:$0x3FBB] =	sst s10  }
0x38: {  	s10 =	sld [smem:$0x3FBC]  }
0x39: {  	_ = 	snop;
	(pc) =	sbr.ind lr, $3  }
0x3a: {  	_ = 	snop  }
0x3b: {  	_ = 	snop  }
0x3c: {  	p2 =	seq.s32 s10, $0x1;
	s10 =	sld [smem:$0x3FBB]  }
0x3d: {  	_ =	shalt  }
0x3e: {  	_ =	shalt  }
0x3f: {  	_ =	shalt  }
0x40: {  	_ =	shalt  }
0x41: {  	_ =	shalt  }
0x42: {  	_ =	shalt  }
0x43: {  	_ =	shalt  }
0x44: {  	_ =	shalt  }
0x45: {  	_ =	shalt  }
0x46: {  	_ =	shalt  }
0x47: {  	_ =	shalt  }
0x48: {  	_ =	shalt  }
0x49: {  	_ =	shalt  }
0x4a: {  	_ =	shalt  }
0x4b: {  	_ =	shalt  }
0x4c: {  	_ =	shalt  }
0x4d: {  	_ =	shalt  }
0x4e: {  	_ =	shalt  }
0x4f: {  	_ =	shalt  }
0x50: {  	_ =	shalt  }
0x51: {  	_ =	shalt  }
0x52: {  	_ =	shalt  }
0x53: {  	_ =	shalt  }
0x54: {  	_ =	shalt  }
0x55: {  	_ =	shalt  }
0x56: {  	_ =	shalt  }
0x57: {  	_ =	shalt  }
0x58: {  	_ =	shalt  }
0x59: {  	_ =	shalt  }
0x5a: {  	_ =	shalt  }
0x5b: {  	_ =	shalt  }
0x5c: {  	_ =	shalt  }
0x5d: {  	_ =	shalt  }
0x5e: {  	_ =	shalt  }
0x5f: {  	_ =	shalt  }
0x60: {  	_ =	shalt  }
0x61: {  	_ =	shalt  }
0x62: {  	_ =	shalt  }
0x63: {  	_ =	shalt  }
0x64: {  	_ =	shalt  }
0x65: {  	_ =	shalt  }
0x66: {  	_ =	shalt  }
0x67: {  	_ =	shalt  }
0x68: {  	_ =	shalt  }
0x69: {  	_ =	shalt  }
0x6a: {  	_ =	shalt  }
0x6b: {  	_ =	shalt  }
0x6c: {  	_ =	shalt  }
0x6d: {  	_ =	shalt  }
0x6e: {  	_ =	shalt  }
0x6f: {  	_ =	shalt  }
0x70: {  	_ =	shalt  }
0x71: {  	_ =	shalt  }
0x72: {  	_ =	shalt  }
0x73: {  	_ =	shalt  }
0x74: {  	_ =	shalt  }
0x75: {  	_ =	shalt  }
0x76: {  	_ =	shalt  }
0x77: {  	_ =	shalt  }
0x78: {  	_ =	shalt  }
0x79: {  	_ =	shalt  }
0x7a: {  	_ =	shalt  }
0x7b: {  	_ =	shalt  }
0x7c: {  	_ =	shalt  }
0x7d: {  	_ =	shalt  }
0x7e: {  	_ =	shalt  }
0x7f: {  	_ =	shalt  }
0x80: {  	_ =	shalt  }
0x81: {  	_ =	shalt  }
0x82: {  	_ =	shalt  }
0x83: {  	_ =	shalt  }
0x84: {  	_ =	shalt  }
0x85: {  	_ =	shalt  }
0x86: {  	_ =	shalt  }
0x87: {  	_ =	shalt  }
.Lfunc_end0:
.L_simem_size_0:
called_computation_lowered:
.L_overlay_start_0:
0x88: {  	s2 =	sld [smem:$0x3FD9]  }
0x89: {  	s3 =	sld [smem:$0x3FFE];
	_ =	sdelay $0x1  }
0x8a: {  	s1 =	srdreg.scid  }
0x8b: {  	s0 =	sand.u32 $0x1, s1  }
0x8c: {  	s17 =	sshll.u32 s0, $0xA;
	s2 =	sadd.s32 s3, s2  }
0x8d: {  	s2 =	sadd.s32 s2, s17  }
0x8e: {  	[smem:$0x3FC7] =	sst s2  }
0x8f: {  	_ = 	snop  }
0x90: {  	s2 =	sld [smem:$0x3FD0];
	(tm) =	ssettm $0x1  }
0x91: {  	s18 =	sld [smem:$0x3FFB];
	_ =	sdelay $0x3  }
0x92: {  	_ =	strace s18  }
0x93: {  	s3 =	sld [smem:$0x3FFC];
	_ =	sdelay $0x3  }
0x94: {  	_ =	strace s3  }
0x95: {  	s3 =	sld [smem:$0x3FFD];
	_ =	sdelay $0x3  }
0x96: {  	_ =	strace s3  }
0x97: {  	_ =	strace $0x8FFFFFFF  }
0x98: {  	s19 =	sld [smem:$0x3FDB];
	_ =	sdelay $0x1  }
0x99: {  	s4 =	simm.s32 $_scs_section_size  }
0x9a: {  	s5 =	simm.s32 $_size__tile_overlayer_lowered;
	s6 =	simm.s32 $_tile_overlayer_lowered  }
0x9b: {  	s22 =	simm.s32 $0x1BFF;
	s21 =	sshll.u32 s6, $0x1;
	s3 =	sadd.s32 s4, s19  }
0x9c: {  	s7 =	simm.s32 $0x0;
	s20 =	sshll.u32 s5, $0x1;
	s5 =	sadd.s32 s21, s3  }
0x9d: {  	[timem:s7], [sflag:s22] =	dma.local [hbm:s5], s20  }
0x9e: {  	_ =	swait.ge [sflag:s22], s20  }
0x9f: {  	s4 =	ssub.s32 $0x0, s20;
	[sflag:s22] =	ssyncset.done $0x0  }
0xa0: {  	[sflag:s22] =	ssyncadd.s32 s4;
	_ =	sdelay $0x1  }
0xa1: {  	s23 =	simm.s32 $0x1B8B  }
0xa2: {  	_ =	swait.ge [sflag:s23], $0x1  }
0xa3: {  	[sflag:s23] =	ssyncset.done $0x0  }
0xa4: {  	s25 =	simm.s32 $0x1B8E;
	s24 =	sld [smem:$0x3FFE];
	[sflag:s23] =	ssyncadd.s32 $0xFFFFFFFF  }
0xa5: {  	s26 =	simm.s32 $execute0_lowered;
	[smem:$0x3FD2] =	sst s25  }
0xa6: {  	s5 =	sshll.u32 s26, $0x1;
	_ =	strace $0x80000046;
	[dreg:$0x1] =	wrdreg $0xFFFFFFFF  }
0xa7: {  	s28 =	simm.s32 $_size_execute0_lowered;
	s3 =	sadd.s32 s3, s5;
	[dreg:$0x0] =	wrdreg $0x0  }
0xa8: {  	s5 =	sshll.u32 s28, $0x1;
	[dreg:$0x2] =	wrdreg s3  }
0xa9: {  	[dreg:$0x3] =	wrdreg s5  }
0xaa: {  	[dreg:$0x4] =	wrdreg $0xC0  }
0xab: {  	_ =	task [dreg:s7], $0x5FFFF  }
0xac: {  	[dreg:$0x1] =	wrdreg $0xFFFFFFFF  }
0xad: {  	[dreg:$0x0] =	wrdreg $0x60  }
0xae: {  	[dreg:$0x2] =	wrdreg s2  }
0xaf: {  	[dreg:$0x3] =	wrdreg s24  }
0xb0: {  	[dreg:$0x4] =	wrdreg $0x9  }
0xb1: {  	_ =	task.clear_ibuf [dreg:s7], $0x5FFFF;
	_ =	strace $0x90000046  }
0xb2: {  	s29 =	simm.s32 $0x9;
	_ =	strace $0x80000048  }
0xb3: {  	_ =	swait.ge [sflag:s29], $0x1  }
0xb4: {  	[sflag:s29] =	ssyncadd.s32 $0xFFFFFFFF  }
0xb5: {  	_ =	strace $0x90000048  }
0xb6: {  	_ =	sfence  }
0xb7: {  	s30 =	sld [smem:$0x0];
	_ =	sdelay $0x2  }
0xb8: {  	s31 =	sshll.u32 s1, $0xD;
	s1 =	sshrl.u32 s1, $0x2  }
0xb9: {  	s3 =	sand.u32 $0x4000, s31;
	s1 =	sadd.s32 s1, s30  }
0xba: {  	s0 =	sor.u32 s3, s0;
	s1 =	sshll.u32 s1, $0x11  }
0xbb: {  	s0 =	sor.u32 s1, s0  }
0xbc: {  	s0 =	sadd.s32 $0x8F2B, s0  }
0xbd: {  	[sflag:s0] =	ssyncadd.remote.s32 $0x1  }
0xbe: {  	_ =	sfence.sel $0xFFFF  }
0xbf: {  	[dreg:$0x0] =	wrdreg $0xFFFFFFFF;
	(pc) =	sbr.abs _section_cstart, $3  }
0xc0: {  	[dreg:$0x1] =	wrdreg $0xFFFFFFFF  }
0xc1: {  	_ =	task.clear_ibuf [dreg:s7], $0x2FFFF;
	_ =	strace $0x9FFFFFFF  }
0xc2: {  	(tm) =	ssettm $0x7FFFFFFF  }
0xc3: {  	_ =	shalt  }
tec
execute0_lowered:
.L_overlay_start_1:
0x0: {  	(tag) =	ssettag $0x1  }
0x1: {  	v0 =	vimm.s32 $0x2380;
	vm1 =	vcmask $0x300;
	vm3 =	vcmask $0x704  }
0x2: {  	vm4 =	vcmask $0xB08;
	vm5 =	vcmask $0xF0C;
	vm6 =	vcmask $0x1310  }
0x3: {  	vm7 =	vcmask $0x1714;
	vm8 =	vcmask $0x1B18;
	vm2 =	vcmask $0x1F1C  }
0x4: {  	v3 =	vimm.s32 $0x8180;
	v4 =	vimm.s32 $0x6380;
	vm0 =	vcmask $0x2320  }
0x5: {  	vm10 =	vcmask $0x2724;
	vm11 =	vcmask $0x2B28;
	vm12 =	vcmask $0x2F2C  }
0x6: {  	vm13 =	vcmask $0x3330;
	vm14 =	vcmask $0x3734;
	vm15 =	vcmask $0x3B38  }
0x7: {  	v0 =	vsel vm1, $0x0, v0;
	v3 =	vsel vm1, $0x4000, v3;
	v4 =	vsel vm1, $0x8200, v4  }
0x8: {  	v0 =	vsel vm3, $0x80, v0;
	v3 =	vsel vm3, $0x4080, v3;
	v4 =	vsel vm3, $0x8280, v4  }
0x9: {  	v0 =	vsel vm4, $0x100, v0;
	v3 =	vsel vm4, $0x4100, v3;
	v4 =	vsel vm4, $0x8300, v4  }
0xa: {  	v0 =	vsel vm5, $0x180, v0;
	v3 =	vsel vm5, $0x4180, v3;
	v4 =	vsel vm5, $0x8380, v4  }
0xb: {  	v1 =	vsel vm6, $0x200, v0;
	v0 =	vimm.s32 $0x0;
	v3 =	vsel vm6, $0x6000, v3  }
0xc: {  	s3 =	rddreg [dreg:$0x0];
	v4 =	vsel vm6, $0xA000, v4;
	v2 =	vsel vm7, $0x280, v1;
	v1 =	vimm.f32 $0.0e+00  }
0xd: {  	s4 =	rddreg [dreg:$0x1];
	v3 =	vsel vm7, $0x6080, v3;
	v4 =	vsel vm7, $0xA080, v4;
	v2 =	vsel vm8, $0x300, v2  }
0xe: {  	s0 =	rddreg [dreg:$0x2];
	s1 =	simm.s32 $0x0;
	v3 =	vsel vm8, $0x6100, v3;
	v4 =	vsel vm8, $0xA100, v4;
	v2 =	vsel vm2, $0x380, v2  }
0xf: {  	s2 =	stileid.u32;
	s5 =	srdreg.scid;
	s9 =	simm.s32 $0x1;
	v3 =	vsel vm2, $0x6180, v3;
	v4 =	vsel vm2, $0xA180, v4;
	v2 =	vsel vm0, $0x2000, v2  }
0x10: {  	s10 =	simm.s32 $0x2;
	s11 =	simm.s32 $0x0;
	[smem:$0x7FF] =	sst s1;
	v3 =	vsel vm0, $0x6200, v3;
	v4 =	vsel vm0, $0x6000, v4;
	v2 =	vsel vm10, $0x2080, v2  }
0x11: {  	s6 =	smul.u32 $0xC0000, s2;
	s5 =	sand.u32 $0x1, s5;
	s7 =	sshll.u32 s2, $0x1;
	v3 =	vsel vm10, $0x6280, v3;
	v4 =	vsel vm10, $0x6080, v4;
	v2 =	vsel vm11, $0x2100, v2  }
0x12: {  	s8 =	ssub.s32 $0x2, s5;
	s7 =	sor.u32 s5, s7;
	s5 =	smul.u32 $0x60000, s5;
	v3 =	vsel vm11, $0x6300, v3;
	v4 =	vsel vm11, $0x6100, v4;
	v2 =	vsel vm12, $0x2180, v2  }
0x13: {  	s4 =	sadd.s32 s6, s4;
	s31 =	sshrl.u32 s8, $0x1;
	s7 =	smul.u32 $0x140, s7;
	v3 =	vsel vm12, $0x6380, v3;
	v4 =	vsel vm12, $0x6180, v4;
	v2 =	vsel vm13, $0x2200, v2  }
0x14: {  	_ =	strace $0x80000047;
	s6 =	ssub.s32 s8, s31;
	s5 =	sadd.s32 s5, s4;
	v3 =	vsel vm13, $0x8000, v3;
	v4 =	vsel vm13, $0x6200, v4;
	v2 =	vsel vm14, $0x2280, v2  }
0x15: {  	s8 =	simm.s32 $0xCA80;
	s3 =	sadd.s32 s3, s7;
	s4 =	smax.u32 s6, $0x1;
	v5 =	vsel vm14, $0x8080, v3;
	v6 =	vsel vm14, $0x6280, v4;
	v3 =	vimm.f32 $1.000000000e+00  }
0x16: {  	s5 =	sadd.s32 $0x1C00, s5;
	s6 =	simm.s32 $0x3;
	s7 =	simm.s32 $0xA80;
	v2 =	vsel vm15, $0x2300, v2;
	v4 =	vsel vm15, $0x8100, v5;
	v5 =	vsel vm15, $0x6300, v6  }
.LBB2_1:
0x17: {  	[tilespmem:s1], [sflag:$0x3] =	stream.linear.gather [hbm4b:s3+s1], $0xA00, $0x38;
	[tilespmem:$0x18A80] =	vst v63  }
0x18: {  	_ =	swait.ge [sflag:s6], $0xA00  }
0x19: {  	[sflag:s6] =	ssyncset.done $0x0  }
0x1a: {  	s12 =	simm.s32 $0xFFFFB000;
	[sflag:s6] =	ssyncadd.s32 $0xFFFFF600  }
0x1b: {  	s13 =	simm.s32 $0x0;
	s14 =	simm.s32 $0x0;
	s15 =	simm.s32 $0x0;
	[tilespmem:$0xA00] =	vst v0  }
.LBB2_2:
0x1c: {  	s16 =	sadd.s32 $0x5000, s12  }
0x1d: {  	s17 =	sand.u32 $0x380, s15;
	s16 =	sand.u32 $0x6000, s16  }
0x1e: {  	s16 =	sor.u32 s17, s16  }
0x1f: {  	[tilespmem:s16+$0xA80] =	vst v1  }
0x20: {  	[tilespmem:s16+$0xCA80] =	vst v1  }
0x21: {  	[tilespmem:s16+$0xA90] =	vst v1  }
0x22: {  	[tilespmem:s16+$0xCA90] =	vst v1  }
0x23: {  	[tilespmem:s16+$0xAA0] =	vst v1  }
0x24: {  	[tilespmem:s16+$0xCAA0] =	vst v1  }
0x25: {  	[tilespmem:s16+$0xAB0] =	vst v1  }
0x26: {  	[tilespmem:s16+$0xCAB0] =	vst v1  }
0x27: {  	[tilespmem:s16+$0xAC0] =	vst v1  }
0x28: {  	[tilespmem:s16+$0xCAC0] =	vst v1  }
0x29: {  	[tilespmem:s16+$0xAD0] =	vst v1  }
0x2a: {  	[tilespmem:s16+$0xCAD0] =	vst v1  }
0x2b: {  	[tilespmem:s16+$0xAE0] =	vst v1  }
0x2c: {  	[tilespmem:s16+$0xCAE0] =	vst v1  }
0x2d: {  	[tilespmem:s16+$0xAF0] =	vst v1  }
0x2e: {  	[tilespmem:s16+$0xCAF0] =	vst v1  }
0x2f: {  	[tilespmem:s16+$0xE80] =	vst v1  }
0x30: {  	[tilespmem:s16+$0xCE80] =	vst v1  }
0x31: {  	[tilespmem:s16+$0xE90] =	vst v1  }
0x32: {  	[tilespmem:s16+$0xCE90] =	vst v1  }
0x33: {  	[tilespmem:s16+$0xEA0] =	vst v1  }
0x34: {  	[tilespmem:s16+$0xCEA0] =	vst v1  }
0x35: {  	[tilespmem:s16+$0xEB0] =	vst v1  }
0x36: {  	[tilespmem:s16+$0xCEB0] =	vst v1  }
0x37: {  	[tilespmem:s16+$0xEC0] =	vst v1  }
0x38: {  	[tilespmem:s16+$0xCEC0] =	vst v1  }
0x39: {  	[tilespmem:s16+$0xED0] =	vst v1  }
0x3a: {  	[tilespmem:s16+$0xCED0] =	vst v1  }
0x3b: {  	[tilespmem:s16+$0xEE0] =	vst v1  }
0x3c: {  	[tilespmem:s16+$0xCEE0] =	vst v1  }
0x3d: {  	[tilespmem:s16+$0xEF0] =	vst v1  }
0x3e: {  	[tilespmem:s16+$0xCEF0] =	vst v1  }
0x3f: {  	[tilespmem:s16+$0x1280] =	vst v1  }
0x40: {  	[tilespmem:s16+$0xD280] =	vst v1  }
0x41: {  	[tilespmem:s16+$0x1290] =	vst v1  }
0x42: {  	[tilespmem:s16+$0xD290] =	vst v1  }
0x43: {  	[tilespmem:s16+$0x12A0] =	vst v1  }
0x44: {  	[tilespmem:s16+$0xD2A0] =	vst v1  }
0x45: {  	[tilespmem:s16+$0x12B0] =	vst v1  }
0x46: {  	[tilespmem:s16+$0xD2B0] =	vst v1  }
0x47: {  	[tilespmem:s16+$0x12C0] =	vst v1  }
0x48: {  	[tilespmem:s16+$0xD2C0] =	vst v1  }
0x49: {  	[tilespmem:s16+$0x12D0] =	vst v1  }
0x4a: {  	[tilespmem:s16+$0xD2D0] =	vst v1  }
0x4b: {  	[tilespmem:s16+$0x12E0] =	vst v1  }
0x4c: {  	[tilespmem:s16+$0xD2E0] =	vst v1  }
0x4d: {  	[tilespmem:s16+$0x12F0] =	vst v1  }
0x4e: {  	[tilespmem:s16+$0xD2F0] =	vst v1  }
0x4f: {  	[tilespmem:s16+$0x1680] =	vst v1  }
0x50: {  	[tilespmem:s16+$0xD680] =	vst v1  }
0x51: {  	[tilespmem:s16+$0x1690] =	vst v1  }
0x52: {  	[tilespmem:s16+$0xD690] =	vst v1  }
0x53: {  	[tilespmem:s16+$0x16A0] =	vst v1  }
0x54: {  	[tilespmem:s16+$0xD6A0] =	vst v1  }
0x55: {  	[tilespmem:s16+$0x16B0] =	vst v1  }
0x56: {  	[tilespmem:s16+$0xD6B0] =	vst v1  }
0x57: {  	[tilespmem:s16+$0x16C0] =	vst v1  }
0x58: {  	[tilespmem:s16+$0xD6C0] =	vst v1  }
0x59: {  	[tilespmem:s16+$0x16D0] =	vst v1  }
0x5a: {  	[tilespmem:s16+$0xD6D0] =	vst v1  }
0x5b: {  	[tilespmem:s16+$0x16E0] =	vst v1  }
0x5c: {  	[tilespmem:s16+$0xD6E0] =	vst v1  }
0x5d: {  	[tilespmem:s16+$0x16F0] =	vst v1  }
0x5e: {  	[tilespmem:s16+$0xD6F0] =	vst v1  }
0x5f: {  	[tilespmem:s16+$0x1A80] =	vst v1  }
0x60: {  	[tilespmem:s16+$0xDA80] =	vst v1  }
0x61: {  	[tilespmem:s16+$0x1A90] =	vst v1  }
0x62: {  	[tilespmem:s16+$0xDA90] =	vst v1  }
0x63: {  	[tilespmem:s16+$0x1AA0] =	vst v1  }
0x64: {  	[tilespmem:s16+$0xDAA0] =	vst v1  }
0x65: {  	[tilespmem:s16+$0x1AB0] =	vst v1  }
0x66: {  	[tilespmem:s16+$0xDAB0] =	vst v1  }
0x67: {  	[tilespmem:s16+$0x1AC0] =	vst v1  }
0x68: {  	[tilespmem:s16+$0xDAC0] =	vst v1  }
0x69: {  	[tilespmem:s16+$0x1AD0] =	vst v1  }
0x6a: {  	[tilespmem:s16+$0xDAD0] =	vst v1  }
0x6b: {  	[tilespmem:s16+$0x1AE0] =	vst v1  }
0x6c: {  	[tilespmem:s16+$0xDAE0] =	vst v1  }
0x6d: {  	[tilespmem:s16+$0x1AF0] =	vst v1  }
0x6e: {  	[tilespmem:s16+$0xDAF0] =	vst v1  }
0x6f: {  	[tilespmem:s16+$0x1E80] =	vst v1  }
0x70: {  	[tilespmem:s16+$0xDE80] =	vst v1  }
0x71: {  	[tilespmem:s16+$0x1E90] =	vst v1  }
0x72: {  	[tilespmem:s16+$0xDE90] =	vst v1  }
0x73: {  	[tilespmem:s16+$0x1EA0] =	vst v1  }
0x74: {  	[tilespmem:s16+$0xDEA0] =	vst v1  }
0x75: {  	[tilespmem:s16+$0x1EB0] =	vst v1  }
0x76: {  	[tilespmem:s16+$0xDEB0] =	vst v1  }
0x77: {  	[tilespmem:s16+$0x1EC0] =	vst v1  }
0x78: {  	[tilespmem:s16+$0xDEC0] =	vst v1  }
0x79: {  	[tilespmem:s16+$0x1ED0] =	vst v1  }
0x7a: {  	[tilespmem:s16+$0xDED0] =	vst v1  }
0x7b: {  	[tilespmem:s16+$0x1EE0] =	vst v1  }
0x7c: {  	[tilespmem:s16+$0xDEE0] =	vst v1  }
0x7d: {  	[tilespmem:s16+$0x1EF0] =	vst v1  }
0x7e: {  	[tilespmem:s16+$0xDEF0] =	vst v1  }
0x7f: {  	[tilespmem:s16+$0x2280] =	vst v1  }
0x80: {  	[tilespmem:s16+$0xE280] =	vst v1  }
0x81: {  	[tilespmem:s16+$0x2290] =	vst v1  }
0x82: {  	[tilespmem:s16+$0xE290] =	vst v1  }
0x83: {  	[tilespmem:s16+$0x22A0] =	vst v1  }
0x84: {  	[tilespmem:s16+$0xE2A0] =	vst v1  }
0x85: {  	[tilespmem:s16+$0x22B0] =	vst v1  }
0x86: {  	[tilespmem:s16+$0xE2B0] =	vst v1  }
0x87: {  	[tilespmem:s16+$0x22C0] =	vst v1  }
0x88: {  	[tilespmem:s16+$0xE2C0] =	vst v1  }
0x89: {  	[tilespmem:s16+$0x22D0] =	vst v1  }
0x8a: {  	[tilespmem:s16+$0xE2D0] =	vst v1  }
0x8b: {  	s30 =	sand.u32 $0x7, s13;
	[tilespmem:s16+$0x22E0] =	vst v1  }
0x8c: {  	s17 =	sshll.u32 s30, $0x7;
	[tilespmem:s16+$0xE2E0] =	vst v1  }
0x8d: {  	s17 =	sadd.s32 s17, s14;
	[tilespmem:s16+$0x22F0] =	vst v1  }
0x8e: {  	[tilespmem:s16+$0xE2F0] =	vst v1;
	s18 =	sor.u32 $0x1C00, s17  }
0x8f: {  	[tilespmem:s18+$0xA80] =	vst v1  }
0x90: {  	s31 =	sor.u32 $0x1C10, s17;
	[tilespmem:s18+$0xCA80] =	vst v1  }
0x91: {  	[tilespmem:s31+$0xA80] =	vst v1  }
0x92: {  	s19 =	sor.u32 $0x1C20, s17;
	[tilespmem:s31+$0xCA80] =	vst v1  }
0x93: {  	[tilespmem:s19+$0xA80] =	vst v1  }
0x94: {  	s20 =	sor.u32 $0x1C30, s17;
	[tilespmem:s19+$0xCA80] =	vst v1  }
0x95: {  	[tilespmem:s20+$0xA80] =	vst v1  }
0x96: {  	s21 =	sor.u32 $0x1C40, s17;
	[tilespmem:s20+$0xCA80] =	vst v1  }
0x97: {  	[tilespmem:s21+$0xA80] =	vst v1  }
0x98: {  	s22 =	sor.u32 $0x1C50, s17;
	[tilespmem:s21+$0xCA80] =	vst v1  }
0x99: {  	[tilespmem:s22+$0xA80] =	vst v1  }
0x9a: {  	s17 =	sor.u32 $0x1C58, s17;
	[tilespmem:s22+$0xCA80] =	vst v1  }
0x9b: {  	[tilespmem:s17+$0xA80] =	vst v1  }
0x9c: {  	[tilespmem:s17+$0xCA80] =	vst v1  }
0x9d: {  	s23 =	sadd.s32 $0x6000, s16;
	[tilespmem:s16+$0x6A80] =	vst v1  }
0x9e: {  	[tilespmem:s23+$0xCA80] =	vst v1  }
0x9f: {  	[tilespmem:s16+$0x6A90] =	vst v1  }
0xa0: {  	[tilespmem:s23+$0xCA90] =	vst v1  }
0xa1: {  	[tilespmem:s16+$0x6AA0] =	vst v1  }
0xa2: {  	[tilespmem:s23+$0xCAA0] =	vst v1  }
0xa3: {  	[tilespmem:s16+$0x6AB0] =	vst v1  }
0xa4: {  	[tilespmem:s23+$0xCAB0] =	vst v1  }
0xa5: {  	[tilespmem:s16+$0x6AC0] =	vst v1  }
0xa6: {  	[tilespmem:s23+$0xCAC0] =	vst v1  }
0xa7: {  	[tilespmem:s16+$0x6AD0] =	vst v1  }
0xa8: {  	[tilespmem:s23+$0xCAD0] =	vst v1  }
0xa9: {  	[tilespmem:s16+$0x6AE0] =	vst v1  }
0xaa: {  	[tilespmem:s23+$0xCAE0] =	vst v1  }
0xab: {  	[tilespmem:s16+$0x6AF0] =	vst v1  }
0xac: {  	[tilespmem:s23+$0xCAF0] =	vst v1  }
0xad: {  	s24 =	sadd.s32 $0x6400, s16;
	[tilespmem:s16+$0x6E80] =	vst v1  }
0xae: {  	[tilespmem:s24+$0xCA80] =	vst v1  }
0xaf: {  	[tilespmem:s16+$0x6E90] =	vst v1  }
0xb0: {  	[tilespmem:s24+$0xCA90] =	vst v1  }
0xb1: {  	[tilespmem:s16+$0x6EA0] =	vst v1  }
0xb2: {  	[tilespmem:s24+$0xCAA0] =	vst v1  }
0xb3: {  	[tilespmem:s16+$0x6EB0] =	vst v1  }
0xb4: {  	[tilespmem:s24+$0xCAB0] =	vst v1  }
0xb5: {  	[tilespmem:s16+$0x6EC0] =	vst v1  }
0xb6: {  	[tilespmem:s24+$0xCAC0] =	vst v1  }
0xb7: {  	[tilespmem:s16+$0x6ED0] =	vst v1  }
0xb8: {  	[tilespmem:s24+$0xCAD0] =	vst v1  }
0xb9: {  	[tilespmem:s16+$0x6EE0] =	vst v1  }
0xba: {  	[tilespmem:s24+$0xCAE0] =	vst v1  }
0xbb: {  	[tilespmem:s16+$0x6EF0] =	vst v1  }
0xbc: {  	[tilespmem:s24+$0xCAF0] =	vst v1  }
0xbd: {  	s25 =	sadd.s32 $0x6800, s16;
	[tilespmem:s16+$0x7280] =	vst v1  }
0xbe: {  	[tilespmem:s25+$0xCA80] =	vst v1  }
0xbf: {  	[tilespmem:s16+$0x7290] =	vst v1  }
0xc0: {  	[tilespmem:s25+$0xCA90] =	vst v1  }
0xc1: {  	[tilespmem:s16+$0x72A0] =	vst v1  }
0xc2: {  	[tilespmem:s25+$0xCAA0] =	vst v1  }
0xc3: {  	[tilespmem:s16+$0x72B0] =	vst v1  }
0xc4: {  	[tilespmem:s25+$0xCAB0] =	vst v1  }
0xc5: {  	[tilespmem:s16+$0x72C0] =	vst v1  }
0xc6: {  	[tilespmem:s25+$0xCAC0] =	vst v1  }
0xc7: {  	[tilespmem:s16+$0x72D0] =	vst v1  }
0xc8: {  	[tilespmem:s25+$0xCAD0] =	vst v1  }
0xc9: {  	[tilespmem:s16+$0x72E0] =	vst v1  }
0xca: {  	[tilespmem:s25+$0xCAE0] =	vst v1  }
0xcb: {  	[tilespmem:s16+$0x72F0] =	vst v1  }
0xcc: {  	[tilespmem:s25+$0xCAF0] =	vst v1  }
0xcd: {  	s26 =	sadd.s32 $0x6C00, s16;
	[tilespmem:s16+$0x7680] =	vst v1  }
0xce: {  	[tilespmem:s26+$0xCA80] =	vst v1  }
0xcf: {  	[tilespmem:s16+$0x7690] =	vst v1  }
0xd0: {  	[tilespmem:s26+$0xCA90] =	vst v1  }
0xd1: {  	[tilespmem:s16+$0x76A0] =	vst v1  }
0xd2: {  	[tilespmem:s26+$0xCAA0] =	vst v1  }
0xd3: {  	[tilespmem:s16+$0x76B0] =	vst v1  }
0xd4: {  	[tilespmem:s26+$0xCAB0] =	vst v1  }
0xd5: {  	[tilespmem:s16+$0x76C0] =	vst v1  }
0xd6: {  	[tilespmem:s26+$0xCAC0] =	vst v1  }
0xd7: {  	[tilespmem:s16+$0x76D0] =	vst v1  }
0xd8: {  	[tilespmem:s26+$0xCAD0] =	vst v1  }
0xd9: {  	[tilespmem:s16+$0x76E0] =	vst v1  }
0xda: {  	[tilespmem:s26+$0xCAE0] =	vst v1  }
0xdb: {  	[tilespmem:s16+$0x76F0] =	vst v1  }
0xdc: {  	[tilespmem:s26+$0xCAF0] =	vst v1  }
0xdd: {  	s28 =	sadd.s32 $0x7000, s16;
	[tilespmem:s16+$0x7A80] =	vst v1  }
0xde: {  	[tilespmem:s28+$0xCA80] =	vst v1  }
0xdf: {  	[tilespmem:s16+$0x7A90] =	vst v1  }
0xe0: {  	[tilespmem:s28+$0xCA90] =	vst v1  }
0xe1: {  	[tilespmem:s16+$0x7AA0] =	vst v1  }
0xe2: {  	[tilespmem:s28+$0xCAA0] =	vst v1  }
0xe3: {  	[tilespmem:s16+$0x7AB0] =	vst v1  }
0xe4: {  	[tilespmem:s28+$0xCAB0] =	vst v1  }
0xe5: {  	[tilespmem:s16+$0x7AC0] =	vst v1  }
0xe6: {  	[tilespmem:s28+$0xCAC0] =	vst v1  }
0xe7: {  	[tilespmem:s16+$0x7AD0] =	vst v1  }
0xe8: {  	[tilespmem:s28+$0xCAD0] =	vst v1  }
0xe9: {  	[tilespmem:s16+$0x7AE0] =	vst v1  }
0xea: {  	[tilespmem:s28+$0xCAE0] =	vst v1  }
0xeb: {  	[tilespmem:s16+$0x7AF0] =	vst v1  }
0xec: {  	[tilespmem:s28+$0xCAF0] =	vst v1  }
0xed: {  	s29 =	sadd.s32 $0x7400, s16;
	[tilespmem:s16+$0x7E80] =	vst v1  }
0xee: {  	[tilespmem:s29+$0xCA80] =	vst v1  }
0xef: {  	[tilespmem:s16+$0x7E90] =	vst v1  }
0xf0: {  	[tilespmem:s29+$0xCA90] =	vst v1  }
0xf1: {  	[tilespmem:s16+$0x7EA0] =	vst v1  }
0xf2: {  	[tilespmem:s29+$0xCAA0] =	vst v1  }
0xf3: {  	[tilespmem:s16+$0x7EB0] =	vst v1  }
0xf4: {  	[tilespmem:s29+$0xCAB0] =	vst v1  }
0xf5: {  	[tilespmem:s16+$0x7EC0] =	vst v1  }
0xf6: {  	[tilespmem:s29+$0xCAC0] =	vst v1  }
0xf7: {  	[tilespmem:s16+$0x7ED0] =	vst v1  }
0xf8: {  	[tilespmem:s29+$0xCAD0] =	vst v1  }
0xf9: {  	[tilespmem:s16+$0x7EE0] =	vst v1  }
0xfa: {  	[tilespmem:s29+$0xCAE0] =	vst v1  }
0xfb: {  	[tilespmem:s16+$0x7EF0] =	vst v1  }
0xfc: {  	[tilespmem:s29+$0xCAF0] =	vst v1  }
0xfd: {  	s30 =	sadd.s32 $0x7800, s16;
	[tilespmem:s16+$0x8280] =	vst v1  }
0xfe: {  	[tilespmem:s30+$0xCA80] =	vst v1  }
0xff: {  	[tilespmem:s16+$0x8290] =	vst v1  }
0x100: {  	[tilespmem:s30+$0xCA90] =	vst v1  }
0x101: {  	[tilespmem:s16+$0x82A0] =	vst v1  }
0x102: {  	[tilespmem:s30+$0xCAA0] =	vst v1  }
0x103: {  	[tilespmem:s16+$0x82B0] =	vst v1  }
0x104: {  	[tilespmem:s30+$0xCAB0] =	vst v1  }
0x105: {  	[tilespmem:s16+$0x82C0] =	vst v1  }
0x106: {  	[tilespmem:s30+$0xCAC0] =	vst v1  }
0x107: {  	[tilespmem:s16+$0x82D0] =	vst v1  }
0x108: {  	[tilespmem:s30+$0xCAD0] =	vst v1  }
0x109: {  	[tilespmem:s16+$0x82E0] =	vst v1  }
0x10a: {  	[tilespmem:s30+$0xCAE0] =	vst v1  }
0x10b: {  	[tilespmem:s16+$0x82F0] =	vst v1  }
0x10c: {  	[tilespmem:s30+$0xCAF0] =	vst v1  }
0x10d: {  	s31 =	sadd.s32 $0x7C00, s16;
	[tilespmem:s16+$0x8680] =	vst v1  }
0x10e: {  	[tilespmem:s31+$0xCA80] =	vst v1  }
0x10f: {  	[tilespmem:s16+$0x8690] =	vst v1  }
0x110: {  	[tilespmem:s31+$0xCA90] =	vst v1  }
0x111: {  	[tilespmem:s16+$0x86A0] =	vst v1  }
0x112: {  	[tilespmem:s31+$0xCAA0] =	vst v1  }
0x113: {  	[tilespmem:s16+$0x86B0] =	vst v1  }
0x114: {  	[tilespmem:s31+$0xCAB0] =	vst v1  }
0x115: {  	p0 =	sne.s32 s15, $0x980;
	[tilespmem:s16+$0x86C0] =	vst v1  }
.Ltmp0:
0x116: {  	[tilespmem:s31+$0xCAC0] =	vst v1;
	(pc) =	sbr.rel @p0 .LBB2_2-.Ltmp0, $4  }
0x117: {  	[tilespmem:s16+$0x86D0] =	vst v1  }
0x118: {  	[tilespmem:s31+$0xCAD0] =	vst v1  }
0x119: {  	s13 =	sadd.s32 $0x1, s13;
	s12 =	sadd.s32 $0x400, s12;
	[tilespmem:s16+$0x86D8] =	vst v1  }
0x11a: {  	s15 =	sadd.s32 $0x80, s15;
	s14 =	sadd.s32 $0x400, s14;
	s16 =	simm.s32 $0x0;
	[tilespmem:s31+$0xCAD8] =	vst v1  }
0x11b: {  	s12 =	smov.u32 s5  }
.LBB2_4:
0x11c: {  	p0 =	seq.s32 s16, $0x0  }
0x11d: {  	_ =	swait.ge @!p0 [sflag:s9], $0xC000  }
0x11e: {  	s13 =	simm.s32 $0x0;
	[sflag:s9] =	ssyncset.done @!p0 $0x0  }
0x11f: {  	s13 =	sshra.s32 @!p0 s16, $0x2;
	[sflag:s9] =	ssyncadd.s32 @!p0 $0xFFFF4000  }
0x120: {  	v6 =	vld @!p0 [tilespmem:s13+$0xFFFFFFB0];
	_ =	sdelay $0x4  }
0x121: {  	vm0 =	vlt.s32 @!p0 v6, $0x3E7  }
0x122: {  	v6 =	vnsel @!p0 vm0, $0x3E7, v6  }
0x123: {  	v7 =	vshll.u32 @!p0 v6, $0x3  }
0x124: {  	v6 =	vand.u32 @!p0 $0x7F, v6;
	v7 =	vand.u32 @!p0 $0xFFFFFC00, v7  }
0x125: {  	v6 =	vor.u32 @!p0 v6, v7  }
0x126: {  	v6 =	vadd.s32 @!p0 v2, v6;
	_ =	sdelay $0x4  }
0x127: {  	[tilespmem:v6+s7+$0x0] =	vst.idx.msk @!p0 $0xffff, v1  }
0x128: {  	v6 =	vld @!p0 [tilespmem:s13+$0xFFFFFFC0];
	_ =	sdelay $0x4  }
0x129: {  	vm0 =	vlt.s32 @!p0 v6, $0x3E7  }
0x12a: {  	v6 =	vnsel @!p0 vm0, $0x3E7, v6  }
0x12b: {  	v7 =	vshll.u32 @!p0 v6, $0x3  }
0x12c: {  	v6 =	vand.u32 @!p0 $0x7F, v6;
	v7 =	vand.u32 @!p0 $0xFFFFFC00, v7  }
0x12d: {  	v6 =	vor.u32 @!p0 v6, v7  }
0x12e: {  	v6 =	vadd.s32 @!p0 v4, v6;
	_ =	sdelay $0x4  }
0x12f: {  	[tilespmem:v6+s7+$0x0] =	vst.idx.msk @!p0 $0xffff, v1  }
0x130: {  	v6 =	vld @!p0 [tilespmem:s13+$0xFFFFFFD0];
	_ =	sdelay $0x4  }
0x131: {  	vm0 =	vlt.s32 @!p0 v6, $0x3E7  }
0x132: {  	v6 =	vnsel @!p0 vm0, $0x3E7, v6  }
0x133: {  	v7 =	vshll.u32 @!p0 v6, $0x3  }
0x134: {  	v6 =	vand.u32 @!p0 $0x7F, v6;
	v7 =	vand.u32 @!p0 $0xFFFFFC00, v7  }
0x135: {  	v6 =	vor.u32 @!p0 v6, v7  }
0x136: {  	v6 =	vadd.s32 @!p0 v5, v6;
	_ =	sdelay $0x3  }
0x137: {  	s13 =	smov.u32 @!p0 s16  }
0x138: {  	s13 =	sshra.s32 s13, $0x2;
	[tilespmem:v6+s7+$0x0] =	vst.idx.msk @!p0 $0xff, v1  }
0x139: {  	v6 =	vld [tilespmem:s13+$0x0];
	_ =	sdelay $0x4  }
0x13a: {  	vm10 =	vlt.s32 v6, $0x3E7  }
0x13b: {  	v6 =	vnsel vm10, $0x3E7, v6  }
0x13c: {  	v7 =	vshll.u32 v6, $0x3  }
0x13d: {  	v6 =	vand.u32 $0x7F, v6;
	v7 =	vand.u32 $0xFFFFFC00, v7  }
0x13e: {  	v6 =	vor.u32 v6, v7  }
0x13f: {  	v6 =	vadd.s32 v2, v6;
	_ =	sdelay $0x4  }
0x140: {  	[tilespmem:v6+s7+$0x0] =	vst.idx.msk $0xffff, v3  }
0x141: {  	v6 =	vld [tilespmem:s13+$0x10];
	_ =	sdelay $0x4  }
0x142: {  	vm11 =	vlt.s32 v6, $0x3E7  }
0x143: {  	v6 =	vnsel vm11, $0x3E7, v6  }
0x144: {  	v7 =	vshll.u32 v6, $0x3  }
0x145: {  	v6 =	vand.u32 $0x7F, v6;
	v7 =	vand.u32 $0xFFFFFC00, v7  }
0x146: {  	v6 =	vor.u32 v6, v7  }
0x147: {  	v6 =	vadd.s32 v4, v6;
	_ =	sdelay $0x4  }
0x148: {  	[tilespmem:v6+s7+$0x0] =	vst.idx.msk $0xffff, v3  }
0x149: {  	v6 =	vld [tilespmem:s13+$0x20];
	_ =	sdelay $0x4  }
0x14a: {  	vm12 =	vlt.s32 v6, $0x3E7  }
0x14b: {  	v6 =	vnsel vm12, $0x3E7, v6  }
0x14c: {  	v7 =	vshll.u32 v6, $0x3  }
0x14d: {  	v6 =	vand.u32 $0x7F, v6;
	v7 =	vand.u32 $0xFFFFFC00, v7  }
0x14e: {  	v6 =	vor.u32 v6, v7  }
0x14f: {  	v6 =	vadd.s32 v5, v6;
	_ =	sdelay $0x4  }
0x150: {  	s14 =	sadd.s32 $0xFFFFE800, s12;
	[tilespmem:v6+s7+$0x0] =	vst.idx.msk $0xff, v3  }
0x151: {  	[hbm4b:s14+s1] =	stream.linear.scatter [tilespmem:s7], [sflag:$0x1], $0xC000, $0x38;
	[tilespmem:$0x18A80] =	vst v63  }
0x152: {  	_ =	swait.ge @!p0 [sflag:s10], $0xC000  }
0x153: {  	[sflag:s10] =	ssyncset.done @!p0 $0x0  }
0x154: {  	[sflag:s10] =	ssyncadd.s32 @!p0 $0xFFFF4000  }
0x155: {  	v6 =	vld @!p0 [tilespmem:s13+$0xFFFFFFD8];
	_ =	sdelay $0x4  }
0x156: {  	vm0 =	vlt.s32 @!p0 v6, $0x3E7  }
0x157: {  	v6 =	vnsel @!p0 vm0, $0x3E7, v6  }
0x158: {  	v7 =	vshll.u32 @!p0 v6, $0x3  }
0x159: {  	v6 =	vand.u32 @!p0 $0x7F, v6;
	v7 =	vand.u32 @!p0 $0xFFFFFC00, v7  }
0x15a: {  	v6 =	vor.u32 @!p0 v6, v7  }
0x15b: {  	v6 =	vadd.s32 @!p0 v2, v6;
	_ =	sdelay $0x4  }
0x15c: {  	[tilespmem:v6+s8+$0x0] =	vst.idx.msk @!p0 $0xffff, v1  }
0x15d: {  	v6 =	vld @!p0 [tilespmem:s13+$0xFFFFFFE8];
	_ =	sdelay $0x4  }
0x15e: {  	vm0 =	vlt.s32 @!p0 v6, $0x3E7  }
0x15f: {  	v6 =	vnsel @!p0 vm0, $0x3E7, v6  }
0x160: {  	v7 =	vshll.u32 @!p0 v6, $0x3  }
0x161: {  	v6 =	vand.u32 @!p0 $0x7F, v6;
	v7 =	vand.u32 @!p0 $0xFFFFFC00, v7  }
0x162: {  	v6 =	vor.u32 @!p0 v6, v7  }
0x163: {  	v6 =	vadd.s32 @!p0 v4, v6;
	_ =	sdelay $0x4  }
0x164: {  	[tilespmem:v6+s8+$0x0] =	vst.idx.msk @!p0 $0xffff, v1  }
0x165: {  	v6 =	vld @!p0 [tilespmem:s13+$0xFFFFFFF8];
	_ =	sdelay $0x4  }
0x166: {  	vm0 =	vlt.s32 @!p0 v6, $0x3E7  }
0x167: {  	v6 =	vnsel @!p0 vm0, $0x3E7, v6  }
0x168: {  	v7 =	vshll.u32 @!p0 v6, $0x3  }
0x169: {  	v6 =	vand.u32 @!p0 $0x7F, v6;
	v7 =	vand.u32 @!p0 $0xFFFFFC00, v7  }
0x16a: {  	v6 =	vor.u32 @!p0 v6, v7  }
0x16b: {  	v6 =	vadd.s32 @!p0 v5, v6;
	_ =	sdelay $0x4  }
0x16c: {  	s31 =	sshra.s32 s16, $0x2;
	[tilespmem:v6+s8+$0x0] =	vst.idx.msk @!p0 $0xff, v1  }
0x16d: {  	v6 =	vld [tilespmem:s31+$0x28];
	_ =	sdelay $0x4  }
0x16e: {  	vm13 =	vlt.s32 v6, $0x3E7  }
0x16f: {  	v6 =	vnsel vm13, $0x3E7, v6  }
0x170: {  	v7 =	vshll.u32 v6, $0x3  }
0x171: {  	v6 =	vand.u32 $0x7F, v6;
	v7 =	vand.u32 $0xFFFFFC00, v7  }
0x172: {  	v6 =	vor.u32 v6, v7  }
0x173: {  	v6 =	vadd.s32 v2, v6;
	_ =	sdelay $0x4  }
0x174: {  	[tilespmem:v6+s8+$0x0] =	vst.idx.msk $0xffff, v3  }
0x175: {  	v6 =	vld [tilespmem:s31+$0x38];
	_ =	sdelay $0x4  }
0x176: {  	vm14 =	vlt.s32 v6, $0x3E7  }
0x177: {  	v6 =	vnsel vm14, $0x3E7, v6  }
0x178: {  	v7 =	vshll.u32 v6, $0x3  }
0x179: {  	v6 =	vand.u32 $0x7F, v6;
	v7 =	vand.u32 $0xFFFFFC00, v7  }
0x17a: {  	v6 =	vor.u32 v6, v7  }
0x17b: {  	v6 =	vadd.s32 v4, v6;
	_ =	sdelay $0x4  }
0x17c: {  	[tilespmem:v6+s8+$0x0] =	vst.idx.msk $0xffff, v3  }
0x17d: {  	v6 =	vld [tilespmem:s31+$0x48];
	_ =	sdelay $0x4  }
0x17e: {  	vm15 =	vlt.s32 v6, $0x3E7  }
0x17f: {  	v6 =	vnsel vm15, $0x3E7, v6  }
0x180: {  	v7 =	vshll.u32 v6, $0x3  }
0x181: {  	v6 =	vand.u32 $0x7F, v6;
	v7 =	vand.u32 $0xFFFFFC00, v7  }
0x182: {  	v6 =	vor.u32 v6, v7  }
0x183: {  	v6 =	vadd.s32 v5, v6  }
0x184: {  	s16 =	sadd.s32 $0x140, s16  }
0x185: {  	p0 =	sne.s32 s16, $0x2800  }
.Ltmp1:
0x186: {  	_ = 	snop;
	(pc) =	sbr.rel @p0 .LBB2_4-.Ltmp1, $4  }
0x187: {  	_ = 	snop  }
0x188: {  	[tilespmem:v6+s8+$0x0] =	vst.idx.msk $0xff, v3  }
0x189: {  	[hbm4b:s12+s1] =	stream.linear.scatter [tilespmem:s8], [sflag:$0x2], $0xC000, $0x38;
	[tilespmem:$0x18A80] =	vst v63  }
0x18a: {  	s12 =	sadd.s32 $0x3000, s12  }
0x18b: {  	s11 =	sadd.s32 $0x1, s11  }
0x18c: {  	_ =	swait.ge [sflag:s9], $0xC000;
	p0 =	sne.s32 s11, s4  }
.Ltmp2:
0x18d: {  	[sflag:s9] =	ssyncset.done $0x0;
	(pc) =	sbr.rel @p0 .LBB2_1-.Ltmp2, $4  }
0x18e: {  	[sflag:s9] =	ssyncadd.s32 $0xFFFF4000  }
0x18f: {  	_ =	swait.ge [sflag:s10], $0xC000  }
0x190: {  	[sflag:s10] =	ssyncset.done $0x0  }
0x191: {  	[sflag:s10] =	ssyncadd.s32 $0xFFFF4000  }
0x192: {  	_ =	sfence.sel $0x180000  }
0x193: {  	[bflag:$0x0] =	sbarrier.arrive $0xFFFF  }
0x194: {  	p0 =	sne.s32 s2, $0x0;
	_ =	strace $0x90000047  }
0x195: {  	s0 =	sadd.s32 @!p0 $0x100000, s0;
	[bflag:$0x2] =	sbarrier.arrive $0xFFFF  }
0x196: {  	[sflag:s0] =	ssyncadd.tile.s32 @!p0 $0x1;
	_ =	shalt  }
.Lfunc_end2:
_tile_overlayer_lowered:
.L_overlay_start_2:
0x197: {  	(tag) =	ssettag $0x2  }
0x198: {  	s0 =	rddreg [dreg:$0x0];
	s2 =	stileid.u32  }
0x199: {  	s1 =	rddreg [dreg:$0x1];
	p0 =	sne.s32 s2, $0x0  }
0x19a: {  	s3 =	rddreg [dreg:$0x2];
	[bflag:$0x3] =	sbarrier.arrive $0xFFFF;
	s2 =	simm.s32 @!p0 $0x1C03  }
0x19b: {  	[timem:s3], [sflag:s2] =	dma.local @!p0 [hbm:s0], s1  }
0x19c: {  	s0 =	simm.s32 @!p0 $0x3  }
0x19d: {  	_ =	swait.ge @!p0 [sflag:s0], s1  }
0x19e: {  	s1 =	ssub.s32 @!p0 $0x0, s1;
	[sflag:s0] =	ssyncset.done @!p0 $0x0  }
0x19f: {  	[sflag:s0] =	ssyncadd.s32 @!p0 s1  }
0x1a0: {  	[bflag:$0x3] =	sbarrier.arrive $0xFFFF  }
0x1a1: {  	_ =	shalt  }

</sc_bundles>
